<compile_context>
chip_gen: v7x
topology: tpu7x:2x2x1
jax: 0.10.2.dev20260603
libtpu: 0.0.44.dev20260713+nightly
codegen_flags: <defaults>
</compile_context>

<pallas_src>
import jax
import jax.numpy as jnp
from jax import lax
from jax.experimental import pallas as pl
from jax.experimental.pallas import tpu as pltpu
from jax.experimental.pallas import tpu_sc as plsc

B = 1024
S = 50
LONGEST = 50
ROW = LONGEST + 2
QROWS = 100002
GAMMA = 0.1
BETA = 0.9
TAU_1 = 0.001
TAU_2 = 0.0001
SIG_ALPHA = 2.0
C_SIG = 2.0
EPS = 1e-10
PAD_Y = -1.0
LN2 = 0.6931471805599453

NC = 2
NS = 16
NW = NC * NS
CHUNK = B * S // NW
NVREG = CHUNK // 16
GCH = 128
NG = -(-CHUNK // GCH)
PADV = NG * GCH
ROWS_W = B // NW


def _sc_gather_body(uf, idx_f, lam_tab, s_tab,
                    u_out, lam_out, s_out,
                    idx_v, off_v, val_v, lam_v, sq_v, sem):
    wid = lax.axis_index("s") * NC + lax.axis_index("c")
    base = wid * CHUNK
    pltpu.sync_copy(idx_f.at[pl.ds(base, CHUNK)], idx_v)

    iota16 = lax.iota(jnp.int32, 16)
    irow = iota16 * ROW

    def body(v, c):
        x = idx_v[pl.ds(v * 16, 16)]
        off_v[pl.ds(v * 16, 16)] = irow + (x + ((base + v * 16) * ROW + 1))
        return c

    lax.fori_loop(0, NVREG, body, 0)
    zero16 = jnp.zeros((16,), jnp.int32)
    for t in range(NVREG, PADV // 16):
        off_v[pl.ds(t * 16, 16)] = zero16

    copies = [
        pltpu.async_copy(uf.at[off_v.at[pl.ds(j * GCH, GCH)]],
                         val_v.at[pl.ds(j * GCH, GCH)], sem)
        for j in range(NG)
    ]

    for h in range(ROWS_W // 16):
        off16 = iota16 * S + (base + h * 16 * S + 1)
        copies.append(pltpu.async_copy(lam_tab.at[off16],
                                       lam_v.at[pl.ds(h * 16, 16)], sem))
        copies.append(pltpu.async_copy(s_tab.at[off16],
                                       sq_v.at[pl.ds(h * 16, 16)], sem))
    for c in copies:
        c.wait()

    pltpu.sync_copy(val_v.at[pl.ds(0, CHUNK)], u_out.at[pl.ds(base, CHUNK)])
    pltpu.sync_copy(lam_v, lam_out.at[pl.ds(wid * ROWS_W, ROWS_W)])
    pltpu.sync_copy(sq_v, s_out.at[pl.ds(wid * ROWS_W, ROWS_W)])


def _make_sc_gather():
    return pl.kernel(
        _sc_gather_body,
        out_type=[
            jax.ShapeDtypeStruct((B * S,), jnp.float32),
            jax.ShapeDtypeStruct((B,), jnp.float32),
            jax.ShapeDtypeStruct((B,), jnp.float32),
        ],
        mesh=plsc.VectorSubcoreMesh(core_axis_name="c", subcore_axis_name="s"),
        scratch_types=[
            pltpu.VMEM((CHUNK,), jnp.int32),
            pltpu.VMEM((PADV,), jnp.int32),
            pltpu.VMEM((PADV,), jnp.float32),
            pltpu.VMEM((ROWS_W,), jnp.float32),
            pltpu.VMEM((ROWS_W,), jnp.float32),
            pltpu.SemaphoreType.DMA,
        ],
    )


def _sig(x):
    ex = jnp.exp(-jnp.abs(x))
    return jnp.where(x >= 0, 1.0 / (1.0 + ex), ex / (1.0 + ex))


def _tc_body(yp_ref, yt_ref, old_ref, lam_ref, sq_ref, np_ref, ni_ref,
             dcg_ref, out_ref, acc_ref):
    i = pl.program_id(0)
    yp = yp_ref[...]
    yt = yt_ref[...]
    m = yt != PAD_Y
    mf = m.astype(jnp.float32)
    cnt = jnp.sum(mf, axis=1, keepdims=True)
    acc = jnp.zeros((_RB, S), jnp.float32)
    for j in range(S):
        hj = jnp.maximum(yp[:, j:j + 1] - yp + 1.0, 0.0)
        acc = acc + mf[:, j:j + 1] * (hj * hj)
    g = acc * mf / cnt + EPS
    gu = (1.0 - GAMMA) * old_ref[...] + GAMMA * g
    G = jnp.where(m, jnp.exp2(jnp.maximum(yt, 0.0)) - 1.0, 0.0)
    nif = ni_ref[...].astype(jnp.float32).reshape(_RB, 1)
    Dn = 2.0 + nif * gu
    l2d = jnp.log(Dn) * (1.0 / LN2)
    nab = G * nif / (l2d * l2d * Dn * LN2)
    lam = lam_ref[...].reshape(_RB, 1)
    pld = jnp.where(m, yp - lam, 0.0)
    sA = _sig(pld * SIG_ALPHA)
    nab = nab * (C_SIG * sA)
    w1 = C_SIG * sA * (1.0 - sA)
    st = _sig(pld * (1.0 / TAU_1))
    temp = st * (1.0 - st) * (1.0 / TAU_1)
    L_h = TAU_2 + jnp.sum(mf * temp, axis=1, keepdims=True) / cnt
    s_used = BETA * L_h + (1.0 - BETA) * sq_ref[...].reshape(_RB, 1)
    ypz = jnp.where(m, yp, 0.0)
    hess = jnp.sum(mf * temp * ypz, axis=1, keepdims=True) / cnt / s_used
    fgu = -G / l2d
    inner = jnp.sum(nab * g + w1 * fgu * (ypz - hess), axis=1,
                    keepdims=True) * (1.0 / S)
    sa = jnp.sum(np_ref[...].astype(jnp.float32) /
                 (dcg_ref[...] + EPS))
    si = jnp.sum(inner)

    @pl.when(i == 0)
    def _():
        acc_ref[0] = 0.0
        acc_ref[1] = 0.0

    acc_ref[0] += sa
    acc_ref[1] += si

    @pl.when(i == pl.num_programs(0) - 1)
    def _():
        out_ref[...] = jnp.full((1, 1), (acc_ref[0] * (1.0 / B)) *
                                (acc_ref[1] * (1.0 / B)), jnp.float32)


_RB = 1024


def _tc_loss(y_pred, y_true, old_u, lam_g, s_g, num_pos, num_item,
             ideal_dcg):
    return pl.pallas_call(
        _tc_body,
        grid=(B // _RB,),
        in_specs=[
            pl.BlockSpec((_RB, S), lambda i: (i, 0)),
            pl.BlockSpec((_RB, S), lambda i: (i, 0)),
            pl.BlockSpec((_RB, S), lambda i: (i, 0)),
            pl.BlockSpec((_RB,), lambda i: (i,)),
            pl.BlockSpec((_RB,), lambda i: (i,)),
            pl.BlockSpec((_RB,), lambda i: (i,)),
            pl.BlockSpec((_RB,), lambda i: (i,)),
            pl.BlockSpec((_RB,), lambda i: (i,)),
        ],
        out_specs=pl.BlockSpec((1, 1), lambda i: (0, 0)),
        out_shape=jax.ShapeDtypeStruct((1, 1), jnp.float32),
        scratch_shapes=[pltpu.SMEM((2,), jnp.float32)],
    )(y_pred, y_true, old_u, lam_g, s_g, num_pos, num_item, ideal_dcg)


def kernel(y_pred, y_true, qid, indices, num_pos, num_item, ideal_dcg,
           u_warmup, lambda_q, v_q, s_q):
    del qid, v_q
    old_u, lam_g, s_g = _make_sc_gather()(
        u_warmup[1:B * S + 1].reshape(-1), indices.reshape(-1), lambda_q, s_q)
    loss = _tc_loss(y_pred, y_true, old_u.reshape(B, S), lam_g, s_g,
                    num_pos, num_item, ideal_dcg)
    return loss[0, 0]

# --- scband reference (transcript-rebuilt; emitter-appended) ---
"""Pipeline reference for scband-ndcg-m-11098195493105 (READ-ONLY COPY).

The authoritative reference and input builder live on the scoring server;
editing this copy changes nothing except your own understanding.
"""

import jax, jax.numpy as jnp
import numpy as np

QUERY_NUM = 100000
LONGEST = 50
GAMMA = 0.1
TOPK = 10
BETA = 0.9
ETA = 0.01
TAU_1 = 0.001
TAU_2 = 0.0001
SIG_ALPHA = 2.0
C_SIG = 2.0
EPS = 1e-10
PADDED_Y_VALUE = -1.0
B, S = 1024, 50


def setup_inputs(seed: int = 0) -> dict:
    key = jax.random.key(seed)
    k = jax.random.split(key, 6)
    y_pred = jax.random.normal(k[0], (B, S), dtype=jnp.float32)
    y_true = jax.random.uniform(k[1], (B, S), dtype=jnp.float32)
    qid = jnp.arange(B * S, dtype=jnp.int32).reshape(B, S)
    indices = jax.random.randint(k[2], (B, S), 0, LONGEST)
    num_pos = jax.random.randint(k[3], (B,), 0, 10)
    num_item = jax.random.randint(k[4], (B,), 0, 50)
    ideal_dcg = jax.random.uniform(k[5], (B,), dtype=jnp.float32)
    u_warmup = jnp.zeros((QUERY_NUM + 2, LONGEST + 2), jnp.float32)
    lambda_q = jnp.zeros((QUERY_NUM + 2,), jnp.float32)
    v_q = jnp.zeros((QUERY_NUM + 2,), jnp.float32)
    s_q = jnp.zeros((QUERY_NUM + 2,), jnp.float32)
    return {"y_pred": y_pred, "y_true": y_true, "qid": qid, "indices": indices,
            "num_pos": num_pos, "num_item": num_item, "ideal_dcg": ideal_dcg,
            "u_warmup": u_warmup, "lambda_q": lambda_q, "v_q": v_q, "s_q": s_q}


def _forward(y_pred, y_true, ideal_dcg, u_warmup, lambda_q, v_q, s_q, qid, indices, num_pos, num_item):
    neg = jnp.float32(-jnp.inf)
    padded_mask = (y_true == PADDED_Y_VALUE)
    y_pred = jnp.where(padded_mask, neg, y_pred)
    y_true = jnp.where(padded_mask, neg, y_true)
    num_of_noninf = jnp.isfinite(y_true).astype(jnp.float32).sum(axis=-1)
    scores_diffs = y_pred[:, None, :] - y_pred[:, :, None]
    sd_mask = jnp.isfinite(scores_diffs)
    scores_diffs = jnp.where(sd_mask, scores_diffs, 0.0)
    sq_hinge = jnp.maximum(jnp.zeros_like(scores_diffs), scores_diffs + 1.0) ** 2
    g = jnp.sum(sd_mask.astype(jnp.float32) * sq_hinge, axis=-1) / num_of_noninf[:, None] + EPS
    ideal_dcg = ideal_dcg + EPS
    G = (2.0 ** jnp.maximum(y_true, 0.0)) - 1.0
    nitem = num_item.astype(jnp.float32)[:, None]
    # stateful moving-average memory update: gather old rows, blend with detached g, scatter back
    qid_flat = qid.reshape(-1) + 1
    idx_flat = indices.reshape(-1) + 1
    old_u = u_warmup[qid_flat, idx_flat]
    new_u = (1.0 - GAMMA) * old_u + GAMMA * jax.lax.stop_gradient(g).reshape(-1)
    u_warmup = u_warmup.at[qid_flat, idx_flat].set(new_u)
    g_u = jax.lax.stop_gradient(u_warmup[qid_flat, idx_flat].reshape(g.shape))
    ln2 = np.log(2.0)
    nabla_f_g = G * nitem / ((jnp.log2(2.0 + nitem * g_u) ** 2) * (2.0 + nitem * g_u) * ln2)
    qid_batch = qid[:, 0] + 1
    pld = jax.lax.stop_gradient(y_pred - lambda_q[qid_batch][:, None])
    pld_mask = jnp.isfinite(pld)
    pld = jnp.where(pld_mask, pld, 0.0)
    pmf = pld_mask.astype(jnp.float32)
    sig = jax.nn.sigmoid
    grad_lambda_q = TOPK / num_item.astype(jnp.float32) + TAU_2 * lambda_q[qid_batch] - jnp.sum(pmf * sig(pld / TAU_1), axis=-1) / num_of_noninf
    v_new = BETA * grad_lambda_q + (1.0 - BETA) * v_q[qid_batch]
    lambda_new = lambda_q[qid_batch] - ETA * v_new  # state update only; not used in loss this step
    sA = sig(pld * SIG_ALPHA)
    nabla_f_g = nabla_f_g * (C_SIG * sA)
    weight_1 = C_SIG * sA * (1.0 - sA)
    y_pred = jnp.where(padded_mask, 0.0, y_pred)
    st = sig(pld / TAU_1)
    temp_term = st * (1.0 - st) / TAU_1
    L_h = TAU_2 + jnp.sum(pmf * temp_term, axis=1) / num_of_noninf
    s_used = jax.lax.stop_gradient(BETA * L_h + (1.0 - BETA) * s_q[qid_batch])
    hessian_term = jnp.sum(pmf * temp_term * y_pred, axis=1) / num_of_noninf / s_used
    f_g_u = -G / jnp.log2(2.0 + nitem * g_u)
    loss = jnp.mean(num_pos.astype(jnp.float32)[:, None] * jnp.mean(nabla_f_g * g + weight_1 * f_g_u * (y_pred - hessian_term[:, None]), axis=-1) / ideal_dcg[:, None])
    return loss


def reference(y_pred, y_true, qid, indices, num_pos, num_item, ideal_dcg, u_warmup, lambda_q, v_q, s_q):
    return _forward(y_pred, y_true, ideal_dcg, u_warmup, lambda_q, v_q, s_q, qid, indices, num_pos, num_item)

if __name__ == "__main__":
    import jax
    _d = setup_inputs()
    print(jax.jit(kernel)(*tuple(_d.values())))

</pallas_src>

<mosaic_0001>
#map = affine_map<(d0, d1) -> (0)>
module attributes {stable_mosaic.version = 14 : i64} {
  func.func @_sc_gather_body(%arg0: i32, %arg1: i32, %arg2: memref<2662400xf32, #tpu.memory_space<hbm>>, %arg3: memref<51200xi32, #tpu.memory_space<hbm>>, %arg4: memref<100002xf32, #tpu.memory_space<hbm>>, %arg5: memref<100002xf32, #tpu.memory_space<hbm>>, %arg6: memref<51200xf32, #tpu.memory_space<hbm>>, %arg7: memref<1024xf32, #tpu.memory_space<hbm>>, %arg8: memref<1024xf32, #tpu.memory_space<hbm>>, %arg9: memref<1600xi32, #tpu.memory_space<vmem>>, %arg10: memref<1664xi32, #tpu.memory_space<vmem>>, %arg11: memref<1664xf32, #tpu.memory_space<vmem>>, %arg12: memref<32xf32, #tpu.memory_space<vmem>>, %arg13: memref<32xf32, #tpu.memory_space<vmem>>, %arg14: memref<!tpu.dma_semaphore, #tpu.memory_space<semaphore_mem>>) attributes {dimension_semantics = [#tpu.dimension_semantics<core_parallel>, #tpu.dimension_semantics<subcore_parallel>], iteration_bounds = array<i64: 2, 16>, scalar_prefetch = 0 : i64, scratch_operands = 6 : i64, tpu.core_type = #tpu.core_type<sc_vector_subcore>, window_params = [{transform_indices = #map}, {transform_indices = #map}, {transform_indices = #map}, {transform_indices = #map}, {transform_indices = #map}, {transform_indices = #map}, {transform_indices = #map}]} {
    %mul3A = arith.constant 2 : i32
    %mul3A_0 = arith.muli %arg1, %mul3A : i32
    %add3A = arith.addi %mul3A_0, %arg0 : i32
    %mul3A_1 = arith.constant 1600 : i32
    %mul3A_2 = arith.muli %add3A, %mul3A_1 : i32
    "tpu.region"() ({
      %run_scoped3A = tpu.sem_alloc : memref<!tpu.dma_semaphore, #tpu.memory_space<semaphore_mem>>
      %dma_start3A_235 = tpu.memref_slice %arg3[%mul3A_2] : memref<51200xi32, #tpu.memory_space<hbm>> -> memref<1600xi32, #tpu.memory_space<hbm>>
      %dma_start3A_236 = tpu.memref_slice %arg3[%mul3A_2] : memref<51200xi32, #tpu.memory_space<hbm>> -> memref<1600xi32, #tpu.memory_space<hbm>>
      tpu.enqueue_dma source(%dma_start3A_236 : memref<1600xi32, #tpu.memory_space<hbm>>) target(%arg9 : memref<1600xi32, #tpu.memory_space<vmem>>) target_semaphore(%run_scoped3A : memref<!tpu.dma_semaphore, #tpu.memory_space<semaphore_mem>>)
      %dma_wait3A_237 = tpu.memref_slice %arg3[%mul3A_2] : memref<51200xi32, #tpu.memory_space<hbm>> -> memref<1600xi32, #tpu.memory_space<hbm>>
      %dma_wait3A_238 = tpu.memref_slice %arg3[%mul3A_2] : memref<51200xi32, #tpu.memory_space<hbm>> -> memref<1600xi32, #tpu.memory_space<hbm>>
      tpu.wait_dma2 semaphore(%run_scoped3A : memref<!tpu.dma_semaphore, #tpu.memory_space<semaphore_mem>>) src(%dma_wait3A_238 : memref<1600xi32, #tpu.memory_space<hbm>>) dst(%arg9 : memref<1600xi32, #tpu.memory_space<vmem>>)
      tpu.yield
    }) : () -> ()
    %iota3A = tpu.iota {dimensions = array<i32: 0>} : vector<16xi32>
    %mul3A_3 = arith.constant 52 : i32
    %mul3A_4 = vector.broadcast %mul3A_3 : i32 to vector<16xi32>
    %mul3A_5 = arith.muli %iota3A, %mul3A_4 : vector<16xi32>
    %scan3A = arith.constant 0 : i32
    %scan3A_6 = arith.constant 0 : i32
    %scan3A_7 = arith.constant 100 : i32
    %scan3A_8 = arith.addi %scan3A_6, %scan3A_7 : i32
    %scan3A_9 = arith.constant 1 : i32
    scf.for %scan3A_235 = %scan3A_6 to %scan3A_8 step %scan3A_9  : i32 {
      %mul3A_236 = arith.constant 16 : i32
      %mul3A_237 = arith.muli %scan3A_235, %mul3A_236 : i32
      %get3A = arith.index_cast %mul3A_237 : i32 to index
      %get3A_238 = tpu.vector_load %arg9[%get3A] {strides = array<i32>} : memref<1600xi32, #tpu.memory_space<vmem>>, vector<16xi32>,
      %get3A_239 = vector.shape_cast %get3A_238 : vector<16xi32> to vector<16xi32>
      %mul3A_240 = arith.constant 16 : i32
      %mul3A_241 = arith.muli %scan3A_235, %mul3A_240 : i32
      %add3A_242 = arith.addi %mul3A_2, %mul3A_241 : i32
      %mul3A_243 = arith.constant 52 : i32
      %mul3A_244 = arith.muli %add3A_242, %mul3A_243 : i32
      %add3A_245 = arith.constant 1 : i32
      %add3A_246 = arith.addi %mul3A_244, %add3A_245 : i32
      %add3A_247 = vector.broadcast %add3A_246 : i32 to vector<16xi32>
      %add3A_248 = arith.addi %get3A_239, %add3A_247 : vector<16xi32>
      %add3A_249 = arith.addi %mul3A_5, %add3A_248 : vector<16xi32>
      %mul3A_250 = arith.constant 16 : i32
      %mul3A_251 = arith.muli %scan3A_235, %mul3A_250 : i32
      %swap3A_252 = arith.index_cast %mul3A_251 : i32 to index
      %swap3A_253 = tpu.vector_load %arg10[%swap3A_252] {strides = array<i32>} : memref<1664xi32, #tpu.memory_space<vmem>>, vector<16xi32>,
      %swap3A_254 = vector.shape_cast %swap3A_253 : vector<16xi32> to vector<16xi32>
      %swap3A_255 = vector.shape_cast %add3A_249 : vector<16xi32> to vector<16xi32>
      tpu.vector_store %arg10[%swap3A_252], %swap3A_255 {strides = array<i32>} : memref<1664xi32, #tpu.memory_space<vmem>>, vector<16xi32>,
    }
    %scan3A_10 = arith.constant 100 : i32
    %broadcast_in_dim3A = arith.constant 0 : i32
    %broadcast_in_dim3A_11 = vector.broadcast %broadcast_in_dim3A : i32 to vector<16xi32>
    %swap3A = arith.constant 1600 : index
    %swap3A_12 = tpu.vector_load %arg10[%swap3A] {strides = array<i32>} : memref<1664xi32, #tpu.memory_space<vmem>>, vector<16xi32>,
    %swap3A_13 = vector.shape_cast %swap3A_12 : vector<16xi32> to vector<16xi32>
    %swap3A_14 = vector.shape_cast %broadcast_in_dim3A_11 : vector<16xi32> to vector<16xi32>
    tpu.vector_store %arg10[%swap3A], %swap3A_14 {strides = array<i32>} : memref<1664xi32, #tpu.memory_space<vmem>>, vector<16xi32>,
    %swap3A_15 = arith.constant 1616 : index
    %swap3A_16 = tpu.vector_load %arg10[%swap3A_15] {strides = array<i32>} : memref<1664xi32, #tpu.memory_space<vmem>>, vector<16xi32>,
    %swap3A_17 = vector.shape_cast %swap3A_16 : vector<16xi32> to vector<16xi32>
    %swap3A_18 = vector.shape_cast %broadcast_in_dim3A_11 : vector<16xi32> to vector<16xi32>
    tpu.vector_store %arg10[%swap3A_15], %swap3A_18 {strides = array<i32>} : memref<1664xi32, #tpu.memory_space<vmem>>, vector<16xi32>,
    %swap3A_19 = arith.constant 1632 : index
    %swap3A_20 = tpu.vector_load %arg10[%swap3A_19] {strides = array<i32>} : memref<1664xi32, #tpu.memory_space<vmem>>, vector<16xi32>,
    %swap3A_21 = vector.shape_cast %swap3A_20 : vector<16xi32> to vector<16xi32>
    %swap3A_22 = vector.shape_cast %broadcast_in_dim3A_11 : vector<16xi32> to vector<16xi32>
    tpu.vector_store %arg10[%swap3A_19], %swap3A_22 {strides = array<i32>} : memref<1664xi32, #tpu.memory_space<vmem>>, vector<16xi32>,
    %swap3A_23 = arith.constant 1648 : index
    %swap3A_24 = tpu.vector_load %arg10[%swap3A_23] {strides = array<i32>} : memref<1664xi32, #tpu.memory_space<vmem>>, vector<16xi32>,
    %swap3A_25 = vector.shape_cast %swap3A_24 : vector<16xi32> to vector<16xi32>
    %swap3A_26 = vector.shape_cast %broadcast_in_dim3A_11 : vector<16xi32> to vector<16xi32>
    tpu.vector_store %arg10[%swap3A_23], %swap3A_26 {strides = array<i32>} : memref<1664xi32, #tpu.memory_space<vmem>>, vector<16xi32>,
    %dma_start3A = arith.constant 0 : i32
    %dma_start3A_27 = tpu.memref_slice %arg11[%dma_start3A] : memref<1664xf32, #tpu.memory_space<vmem>> -> memref<128xf32, #tpu.memory_space<vmem>>
    %dma_start3A_28 = arith.constant 0 : i32
    %dma_start3A_29 = tpu.memref_slice %arg10[%dma_start3A_28] : memref<1664xi32, #tpu.memory_space<vmem>> -> memref<128xi32, #tpu.memory_space<vmem>>
    %dma_start3A_30 = arith.constant 0 : i32
    %dma_start3A_31 = tpu.memref_slice %arg2[%dma_start3A_30] : memref<2662400xf32, #tpu.memory_space<hbm>> -> memref<2662400xf32, #tpu.memory_space<hbm>>
    tpu.enqueue_indirect_dma source(%dma_start3A_31 : memref<2662400xf32, #tpu.memory_space<hbm>>) target(%dma_start3A_27 : memref<128xf32, #tpu.memory_space<vmem>>) offsets(%dma_start3A_29 : memref<128xi32, #tpu.memory_space<vmem>>) semaphore(%arg14 : memref<!tpu.dma_semaphore, #tpu.memory_space<semaphore_mem>>)
    %dma_start3A_32 = arith.constant 128 : i32
    %dma_start3A_33 = tpu.memref_slice %arg11[%dma_start3A_32] : memref<1664xf32, #tpu.memory_space<vmem>> -> memref<128xf32, #tpu.memory_space<vmem>>
    %dma_start3A_34 = arith.constant 128 : i32
    %dma_start3A_35 = tpu.memref_slice %arg10[%dma_start3A_34] : memref<1664xi32, #tpu.memory_space<vmem>> -> memref<128xi32, #tpu.memory_space<vmem>>
    %dma_start3A_36 = arith.constant 0 : i32
    %dma_start3A_37 = tpu.memref_slice %arg2[%dma_start3A_36] : memref<2662400xf32, #tpu.memory_space<hbm>> -> memref<2662400xf32, #tpu.memory_space<hbm>>
    tpu.enqueue_indirect_dma source(%dma_start3A_37 : memref<2662400xf32, #tpu.memory_space<hbm>>) target(%dma_start3A_33 : memref<128xf32, #tpu.memory_space<vmem>>) offsets(%dma_start3A_35 : memref<128xi32, #tpu.memory_space<vmem>>) semaphore(%arg14 : memref<!tpu.dma_semaphore, #tpu.memory_space<semaphore_mem>>)
    %dma_start3A_38 = arith.constant 256 : i32
    %dma_start3A_39 = tpu.memref_slice %arg11[%dma_start3A_38] : memref<1664xf32, #tpu.memory_space<vmem>> -> memref<128xf32, #tpu.memory_space<vmem>>
    %dma_start3A_40 = arith.constant 256 : i32
    %dma_start3A_41 = tpu.memref_slice %arg10[%dma_start3A_40] : memref<1664xi32, #tpu.memory_space<vmem>> -> memref<128xi32, #tpu.memory_space<vmem>>
    %dma_start3A_42 = arith.constant 0 : i32
    %dma_start3A_43 = tpu.memref_slice %arg2[%dma_start3A_42] : memref<2662400xf32, #tpu.memory_space<hbm>> -> memref<2662400xf32, #tpu.memory_space<hbm>>
    tpu.enqueue_indirect_dma source(%dma_start3A_43 : memref<2662400xf32, #tpu.memory_space<hbm>>) target(%dma_start3A_39 : memref<128xf32, #tpu.memory_space<vmem>>) offsets(%dma_start3A_41 : memref<128xi32, #tpu.memory_space<vmem>>) semaphore(%arg14 : memref<!tpu.dma_semaphore, #tpu.memory_space<semaphore_mem>>)
    %dma_start3A_44 = arith.constant 384 : i32
    %dma_start3A_45 = tpu.memref_slice %arg11[%dma_start3A_44] : memref<1664xf32, #tpu.memory_space<vmem>> -> memref<128xf32, #tpu.memory_space<vmem>>
    %dma_start3A_46 = arith.constant 384 : i32
    %dma_start3A_47 = tpu.memref_slice %arg10[%dma_start3A_46] : memref<1664xi32, #tpu.memory_space<vmem>> -> memref<128xi32, #tpu.memory_space<vmem>>
    %dma_start3A_48 = arith.constant 0 : i32
    %dma_start3A_49 = tpu.memref_slice %arg2[%dma_start3A_48] : memref<2662400xf32, #tpu.memory_space<hbm>> -> memref<2662400xf32, #tpu.memory_space<hbm>>
    tpu.enqueue_indirect_dma source(%dma_start3A_49 : memref<2662400xf32, #tpu.memory_space<hbm>>) target(%dma_start3A_45 : memref<128xf32, #tpu.memory_space<vmem>>) offsets(%dma_start3A_47 : memref<128xi32, #tpu.memory_space<vmem>>) semaphore(%arg14 : memref<!tpu.dma_semaphore, #tpu.memory_space<semaphore_mem>>)
    %dma_start3A_50 = arith.constant 512 : i32
    %dma_start3A_51 = tpu.memref_slice %arg11[%dma_start3A_50] : memref<1664xf32, #tpu.memory_space<vmem>> -> memref<128xf32, #tpu.memory_space<vmem>>
    %dma_start3A_52 = arith.constant 512 : i32
    %dma_start3A_53 = tpu.memref_slice %arg10[%dma_start3A_52] : memref<1664xi32, #tpu.memory_space<vmem>> -> memref<128xi32, #tpu.memory_space<vmem>>
    %dma_start3A_54 = arith.constant 0 : i32
    %dma_start3A_55 = tpu.memref_slice %arg2[%dma_start3A_54] : memref<2662400xf32, #tpu.memory_space<hbm>> -> memref<2662400xf32, #tpu.memory_space<hbm>>
    tpu.enqueue_indirect_dma source(%dma_start3A_55 : memref<2662400xf32, #tpu.memory_space<hbm>>) target(%dma_start3A_51 : memref<128xf32, #tpu.memory_space<vmem>>) offsets(%dma_start3A_53 : memref<128xi32, #tpu.memory_space<vmem>>) semaphore(%arg14 : memref<!tpu.dma_semaphore, #tpu.memory_space<semaphore_mem>>)
    %dma_start3A_56 = arith.constant 640 : i32
    %dma_start3A_57 = tpu.memref_slice %arg11[%dma_start3A_56] : memref<1664xf32, #tpu.memory_space<vmem>> -> memref<128xf32, #tpu.memory_space<vmem>>
    %dma_start3A_58 = arith.constant 640 : i32
    %dma_start3A_59 = tpu.memref_slice %arg10[%dma_start3A_58] : memref<1664xi32, #tpu.memory_space<vmem>> -> memref<128xi32, #tpu.memory_space<vmem>>
    %dma_start3A_60 = arith.constant 0 : i32
    %dma_start3A_61 = tpu.memref_slice %arg2[%dma_start3A_60] : memref<2662400xf32, #tpu.memory_space<hbm>> -> memref<2662400xf32, #tpu.memory_space<hbm>>
    tpu.enqueue_indirect_dma source(%dma_start3A_61 : memref<2662400xf32, #tpu.memory_space<hbm>>) target(%dma_start3A_57 : memref<128xf32, #tpu.memory_space<vmem>>) offsets(%dma_start3A_59 : memref<128xi32, #tpu.memory_space<vmem>>) semaphore(%arg14 : memref<!tpu.dma_semaphore, #tpu.memory_space<semaphore_mem>>)
    %dma_start3A_62 = arith.constant 768 : i32
    %dma_start3A_63 = tpu.memref_slice %arg11[%dma_start3A_62] : memref<1664xf32, #tpu.memory_space<vmem>> -> memref<128xf32, #tpu.memory_space<vmem>>
    %dma_start3A_64 = arith.constant 768 : i32
    %dma_start3A_65 = tpu.memref_slice %arg10[%dma_start3A_64] : memref<1664xi32, #tpu.memory_space<vmem>> -> memref<128xi32, #tpu.memory_space<vmem>>
    %dma_start3A_66 = arith.constant 0 : i32
    %dma_start3A_67 = tpu.memref_slice %arg2[%dma_start3A_66] : memref<2662400xf32, #tpu.memory_space<hbm>> -> memref<2662400xf32, #tpu.memory_space<hbm>>
    tpu.enqueue_indirect_dma source(%dma_start3A_67 : memref<2662400xf32, #tpu.memory_space<hbm>>) target(%dma_start3A_63 : memref<128xf32, #tpu.memory_space<vmem>>) offsets(%dma_start3A_65 : memref<128xi32, #tpu.memory_space<vmem>>) semaphore(%arg14 : memref<!tpu.dma_semaphore, #tpu.memory_space<semaphore_mem>>)
    %dma_start3A_68 = arith.constant 896 : i32
    %dma_start3A_69 = tpu.memref_slice %arg11[%dma_start3A_68] : memref<1664xf32, #tpu.memory_space<vmem>> -> memref<128xf32, #tpu.memory_space<vmem>>
    %dma_start3A_70 = arith.constant 896 : i32
    %dma_start3A_71 = tpu.memref_slice %arg10[%dma_start3A_70] : memref<1664xi32, #tpu.memory_space<vmem>> -> memref<128xi32, #tpu.memory_space<vmem>>
    %dma_start3A_72 = arith.constant 0 : i32
    %dma_start3A_73 = tpu.memref_slice %arg2[%dma_start3A_72] : memref<2662400xf32, #tpu.memory_space<hbm>> -> memref<2662400xf32, #tpu.memory_space<hbm>>
    tpu.enqueue_indirect_dma source(%dma_start3A_73 : memref<2662400xf32, #tpu.memory_space<hbm>>) target(%dma_start3A_69 : memref<128xf32, #tpu.memory_space<vmem>>) offsets(%dma_start3A_71 : memref<128xi32, #tpu.memory_space<vmem>>) semaphore(%arg14 : memref<!tpu.dma_semaphore, #tpu.memory_space<semaphore_mem>>)
    %dma_start3A_74 = arith.constant 1024 : i32
    %dma_start3A_75 = tpu.memref_slice %arg11[%dma_start3A_74] : memref<1664xf32, #tpu.memory_space<vmem>> -> memref<128xf32, #tpu.memory_space<vmem>>
    %dma_start3A_76 = arith.constant 1024 : i32
    %dma_start3A_77 = tpu.memref_slice %arg10[%dma_start3A_76] : memref<1664xi32, #tpu.memory_space<vmem>> -> memref<128xi32, #tpu.memory_space<vmem>>
    %dma_start3A_78 = arith.constant 0 : i32
    %dma_start3A_79 = tpu.memref_slice %arg2[%dma_start3A_78] : memref<2662400xf32, #tpu.memory_space<hbm>> -> memref<2662400xf32, #tpu.memory_space<hbm>>
    tpu.enqueue_indirect_dma source(%dma_start3A_79 : memref<2662400xf32, #tpu.memory_space<hbm>>) target(%dma_start3A_75 : memref<128xf32, #tpu.memory_space<vmem>>) offsets(%dma_start3A_77 : memref<128xi32, #tpu.memory_space<vmem>>) semaphore(%arg14 : memref<!tpu.dma_semaphore, #tpu.memory_space<semaphore_mem>>)
    %dma_start3A_80 = arith.constant 1152 : i32
    %dma_start3A_81 = tpu.memref_slice %arg11[%dma_start3A_80] : memref<1664xf32, #tpu.memory_space<vmem>> -> memref<128xf32, #tpu.memory_space<vmem>>
    %dma_start3A_82 = arith.constant 1152 : i32
    %dma_start3A_83 = tpu.memref_slice %arg10[%dma_start3A_82] : memref<1664xi32, #tpu.memory_space<vmem>> -> memref<128xi32, #tpu.memory_space<vmem>>
    %dma_start3A_84 = arith.constant 0 : i32
    %dma_start3A_85 = tpu.memref_slice %arg2[%dma_start3A_84] : memref<2662400xf32, #tpu.memory_space<hbm>> -> memref<2662400xf32, #tpu.memory_space<hbm>>
    tpu.enqueue_indirect_dma source(%dma_start3A_85 : memref<2662400xf32, #tpu.memory_space<hbm>>) target(%dma_start3A_81 : memref<128xf32, #tpu.memory_space<vmem>>) offsets(%dma_start3A_83 : memref<128xi32, #tpu.memory_space<vmem>>) semaphore(%arg14 : memref<!tpu.dma_semaphore, #tpu.memory_space<semaphore_mem>>)
    %dma_start3A_86 = arith.constant 1280 : i32
    %dma_start3A_87 = tpu.memref_slice %arg11[%dma_start3A_86] : memref<1664xf32, #tpu.memory_space<vmem>> -> memref<128xf32, #tpu.memory_space<vmem>>
    %dma_start3A_88 = arith.constant 1280 : i32
    %dma_start3A_89 = tpu.memref_slice %arg10[%dma_start3A_88] : memref<1664xi32, #tpu.memory_space<vmem>> -> memref<128xi32, #tpu.memory_space<vmem>>
    %dma_start3A_90 = arith.constant 0 : i32
    %dma_start3A_91 = tpu.memref_slice %arg2[%dma_start3A_90] : memref<2662400xf32, #tpu.memory_space<hbm>> -> memref<2662400xf32, #tpu.memory_space<hbm>>
    tpu.enqueue_indirect_dma source(%dma_start3A_91 : memref<2662400xf32, #tpu.memory_space<hbm>>) target(%dma_start3A_87 : memref<128xf32, #tpu.memory_space<vmem>>) offsets(%dma_start3A_89 : memref<128xi32, #tpu.memory_space<vmem>>) semaphore(%arg14 : memref<!tpu.dma_semaphore, #tpu.memory_space<semaphore_mem>>)
    %dma_start3A_92 = arith.constant 1408 : i32
    %dma_start3A_93 = tpu.memref_slice %arg11[%dma_start3A_92] : memref<1664xf32, #tpu.memory_space<vmem>> -> memref<128xf32, #tpu.memory_space<vmem>>
    %dma_start3A_94 = arith.constant 1408 : i32
    %dma_start3A_95 = tpu.memref_slice %arg10[%dma_start3A_94] : memref<1664xi32, #tpu.memory_space<vmem>> -> memref<128xi32, #tpu.memory_space<vmem>>
    %dma_start3A_96 = arith.constant 0 : i32
    %dma_start3A_97 = tpu.memref_slice %arg2[%dma_start3A_96] : memref<2662400xf32, #tpu.memory_space<hbm>> -> memref<2662400xf32, #tpu.memory_space<hbm>>
    tpu.enqueue_indirect_dma source(%dma_start3A_97 : memref<2662400xf32, #tpu.memory_space<hbm>>) target(%dma_start3A_93 : memref<128xf32, #tpu.memory_space<vmem>>) offsets(%dma_start3A_95 : memref<128xi32, #tpu.memory_space<vmem>>) semaphore(%arg14 : memref<!tpu.dma_semaphore, #tpu.memory_space<semaphore_mem>>)
    %dma_start3A_98 = arith.constant 1536 : i32
    %dma_start3A_99 = tpu.memref_slice %arg11[%dma_start3A_98] : memref<1664xf32, #tpu.memory_space<vmem>> -> memref<128xf32, #tpu.memory_space<vmem>>
    %dma_start3A_100 = arith.constant 1536 : i32
    %dma_start3A_101 = tpu.memref_slice %arg10[%dma_start3A_100] : memref<1664xi32, #tpu.memory_space<vmem>> -> memref<128xi32, #tpu.memory_space<vmem>>
    %dma_start3A_102 = arith.constant 0 : i32
    %dma_start3A_103 = tpu.memref_slice %arg2[%dma_start3A_102] : memref<2662400xf32, #tpu.memory_space<hbm>> -> memref<2662400xf32, #tpu.memory_space<hbm>>
    tpu.enqueue_indirect_dma source(%dma_start3A_103 : memref<2662400xf32, #tpu.memory_space<hbm>>) target(%dma_start3A_99 : memref<128xf32, #tpu.memory_space<vmem>>) offsets(%dma_start3A_101 : memref<128xi32, #tpu.memory_space<vmem>>) semaphore(%arg14 : memref<!tpu.dma_semaphore, #tpu.memory_space<semaphore_mem>>)
    %mul3A_104 = arith.constant 50 : i32
    %mul3A_105 = vector.broadcast %mul3A_104 : i32 to vector<16xi32>
    %mul3A_106 = arith.muli %iota3A, %mul3A_105 : vector<16xi32>
    %add3A_107 = arith.constant 0 : i32
    %add3A_108 = arith.addi %mul3A_2, %add3A_107 : i32
    %add3A_109 = arith.constant 1 : i32
    %add3A_110 = arith.addi %add3A_108, %add3A_109 : i32
    %add3A_111 = vector.broadcast %add3A_110 : i32 to vector<16xi32>
    %add3A_112 = arith.addi %mul3A_106, %add3A_111 : vector<16xi32>
    %dma_start3A_113 = arith.constant 0 : i32
    %dma_start3A_114 = tpu.memref_slice %arg12[%dma_start3A_113] : memref<32xf32, #tpu.memory_space<vmem>> -> memref<16xf32, #tpu.memory_space<vmem>>
    %dma_start3A_115 = arith.constant 0 : i32
    %dma_start3A_116 = tpu.memref_slice %arg4[%dma_start3A_115] : memref<100002xf32, #tpu.memory_space<hbm>> -> memref<100002xf32, #tpu.memory_space<hbm>>
    tpu.enqueue_indirect_dma source(%dma_start3A_116 : memref<100002xf32, #tpu.memory_space<hbm>>) target(%dma_start3A_114 : memref<16xf32, #tpu.memory_space<vmem>>) offsets(%add3A_112 : vector<16xi32>) semaphore(%arg14 : memref<!tpu.dma_semaphore, #tpu.memory_space<semaphore_mem>>)
    %dma_start3A_117 = arith.constant 0 : i32
    %dma_start3A_118 = tpu.memref_slice %arg13[%dma_start3A_117] : memref<32xf32, #tpu.memory_space<vmem>> -> memref<16xf32, #tpu.memory_space<vmem>>
    %dma_start3A_119 = arith.constant 0 : i32
    %dma_start3A_120 = tpu.memref_slice %arg5[%dma_start3A_119] : memref<100002xf32, #tpu.memory_space<hbm>> -> memref<100002xf32, #tpu.memory_space<hbm>>
    tpu.enqueue_indirect_dma source(%dma_start3A_120 : memref<100002xf32, #tpu.memory_space<hbm>>) target(%dma_start3A_118 : memref<16xf32, #tpu.memory_space<vmem>>) offsets(%add3A_112 : vector<16xi32>) semaphore(%arg14 : memref<!tpu.dma_semaphore, #tpu.memory_space<semaphore_mem>>)
    %mul3A_121 = arith.constant 50 : i32
    %mul3A_122 = vector.broadcast %mul3A_121 : i32 to vector<16xi32>
    %mul3A_123 = arith.muli %iota3A, %mul3A_122 : vector<16xi32>
    %add3A_124 = arith.constant 800 : i32
    %add3A_125 = arith.addi %mul3A_2, %add3A_124 : i32
    %add3A_126 = arith.constant 1 : i32
    %add3A_127 = arith.addi %add3A_125, %add3A_126 : i32
    %add3A_128 = vector.broadcast %add3A_127 : i32 to vector<16xi32>
    %add3A_129 = arith.addi %mul3A_123, %add3A_128 : vector<16xi32>
    %dma_start3A_130 = arith.constant 16 : i32
    %dma_start3A_131 = tpu.memref_slice %arg12[%dma_start3A_130] : memref<32xf32, #tpu.memory_space<vmem>> -> memref<16xf32, #tpu.memory_space<vmem>>
    %dma_start3A_132 = arith.constant 0 : i32
    %dma_start3A_133 = tpu.memref_slice %arg4[%dma_start3A_132] : memref<100002xf32, #tpu.memory_space<hbm>> -> memref<100002xf32, #tpu.memory_space<hbm>>
    tpu.enqueue_indirect_dma source(%dma_start3A_133 : memref<100002xf32, #tpu.memory_space<hbm>>) target(%dma_start3A_131 : memref<16xf32, #tpu.memory_space<vmem>>) offsets(%add3A_129 : vector<16xi32>) semaphore(%arg14 : memref<!tpu.dma_semaphore, #tpu.memory_space<semaphore_mem>>)
    %dma_start3A_134 = arith.constant 16 : i32
    %dma_start3A_135 = tpu.memref_slice %arg13[%dma_start3A_134] : memref<32xf32, #tpu.memory_space<vmem>> -> memref<16xf32, #tpu.memory_space<vmem>>
    %dma_start3A_136 = arith.constant 0 : i32
    %dma_start3A_137 = tpu.memref_slice %arg5[%dma_start3A_136] : memref<100002xf32, #tpu.memory_space<hbm>> -> memref<100002xf32, #tpu.memory_space<hbm>>
    tpu.enqueue_indirect_dma source(%dma_start3A_137 : memref<100002xf32, #tpu.memory_space<hbm>>) target(%dma_start3A_135 : memref<16xf32, #tpu.memory_space<vmem>>) offsets(%add3A_129 : vector<16xi32>) semaphore(%arg14 : memref<!tpu.dma_semaphore, #tpu.memory_space<semaphore_mem>>)
    %dma_wait3A = arith.constant 0 : i32
    %dma_wait3A_138 = tpu.memref_slice %arg11[%dma_wait3A] : memref<1664xf32, #tpu.memory_space<vmem>> -> memref<128xf32, #tpu.memory_space<vmem>>
    %dma_wait3A_139 = arith.constant 0 : i32
    %dma_wait3A_140 = tpu.memref_slice %arg10[%dma_wait3A_139] : memref<1664xi32, #tpu.memory_space<vmem>> -> memref<128xi32, #tpu.memory_space<vmem>>
    %dma_wait3A_141 = arith.constant 0 : i32
    %dma_wait3A_142 = tpu.memref_slice %arg2[%dma_wait3A_141] : memref<2662400xf32, #tpu.memory_space<hbm>> -> memref<2662400xf32, #tpu.memory_space<hbm>>
    tpu.wait_indirect_dma semaphore(%arg14 : memref<!tpu.dma_semaphore, #tpu.memory_space<semaphore_mem>>) src(%dma_wait3A_142 : memref<2662400xf32, #tpu.memory_space<hbm>>) dst(%dma_wait3A_138 : memref<128xf32, #tpu.memory_space<vmem>>)
    %dma_wait3A_143 = arith.constant 128 : i32
    %dma_wait3A_144 = tpu.memref_slice %arg11[%dma_wait3A_143] : memref<1664xf32, #tpu.memory_space<vmem>> -> memref<128xf32, #tpu.memory_space<vmem>>
    %dma_wait3A_145 = arith.constant 128 : i32
    %dma_wait3A_146 = tpu.memref_slice %arg10[%dma_wait3A_145] : memref<1664xi32, #tpu.memory_space<vmem>> -> memref<128xi32, #tpu.memory_space<vmem>>
    %dma_wait3A_147 = arith.constant 0 : i32
    %dma_wait3A_148 = tpu.memref_slice %arg2[%dma_wait3A_147] : memref<2662400xf32, #tpu.memory_space<hbm>> -> memref<2662400xf32, #tpu.memory_space<hbm>>
    tpu.wait_indirect_dma semaphore(%arg14 : memref<!tpu.dma_semaphore, #tpu.memory_space<semaphore_mem>>) src(%dma_wait3A_148 : memref<2662400xf32, #tpu.memory_space<hbm>>) dst(%dma_wait3A_144 : memref<128xf32, #tpu.memory_space<vmem>>)
    %dma_wait3A_149 = arith.constant 256 : i32
    %dma_wait3A_150 = tpu.memref_slice %arg11[%dma_wait3A_149] : memref<1664xf32, #tpu.memory_space<vmem>> -> memref<128xf32, #tpu.memory_space<vmem>>
    %dma_wait3A_151 = arith.constant 256 : i32
    %dma_wait3A_152 = tpu.memref_slice %arg10[%dma_wait3A_151] : memref<1664xi32, #tpu.memory_space<vmem>> -> memref<128xi32, #tpu.memory_space<vmem>>
    %dma_wait3A_153 = arith.constant 0 : i32
    %dma_wait3A_154 = tpu.memref_slice %arg2[%dma_wait3A_153] : memref<2662400xf32, #tpu.memory_space<hbm>> -> memref<2662400xf32, #tpu.memory_space<hbm>>
    tpu.wait_indirect_dma semaphore(%arg14 : memref<!tpu.dma_semaphore, #tpu.memory_space<semaphore_mem>>) src(%dma_wait3A_154 : memref<2662400xf32, #tpu.memory_space<hbm>>) dst(%dma_wait3A_150 : memref<128xf32, #tpu.memory_space<vmem>>)
    %dma_wait3A_155 = arith.constant 384 : i32
    %dma_wait3A_156 = tpu.memref_slice %arg11[%dma_wait3A_155] : memref<1664xf32, #tpu.memory_space<vmem>> -> memref<128xf32, #tpu.memory_space<vmem>>
    %dma_wait3A_157 = arith.constant 384 : i32
    %dma_wait3A_158 = tpu.memref_slice %arg10[%dma_wait3A_157] : memref<1664xi32, #tpu.memory_space<vmem>> -> memref<128xi32, #tpu.memory_space<vmem>>
    %dma_wait3A_159 = arith.constant 0 : i32
    %dma_wait3A_160 = tpu.memref_slice %arg2[%dma_wait3A_159] : memref<2662400xf32, #tpu.memory_space<hbm>> -> memref<2662400xf32, #tpu.memory_space<hbm>>
    tpu.wait_indirect_dma semaphore(%arg14 : memref<!tpu.dma_semaphore, #tpu.memory_space<semaphore_mem>>) src(%dma_wait3A_160 : memref<2662400xf32, #tpu.memory_space<hbm>>) dst(%dma_wait3A_156 : memref<128xf32, #tpu.memory_space<vmem>>)
    %dma_wait3A_161 = arith.constant 512 : i32
    %dma_wait3A_162 = tpu.memref_slice %arg11[%dma_wait3A_161] : memref<1664xf32, #tpu.memory_space<vmem>> -> memref<128xf32, #tpu.memory_space<vmem>>
    %dma_wait3A_163 = arith.constant 512 : i32
    %dma_wait3A_164 = tpu.memref_slice %arg10[%dma_wait3A_163] : memref<1664xi32, #tpu.memory_space<vmem>> -> memref<128xi32, #tpu.memory_space<vmem>>
    %dma_wait3A_165 = arith.constant 0 : i32
    %dma_wait3A_166 = tpu.memref_slice %arg2[%dma_wait3A_165] : memref<2662400xf32, #tpu.memory_space<hbm>> -> memref<2662400xf32, #tpu.memory_space<hbm>>
    tpu.wait_indirect_dma semaphore(%arg14 : memref<!tpu.dma_semaphore, #tpu.memory_space<semaphore_mem>>) src(%dma_wait3A_166 : memref<2662400xf32, #tpu.memory_space<hbm>>) dst(%dma_wait3A_162 : memref<128xf32, #tpu.memory_space<vmem>>)
    %dma_wait3A_167 = arith.constant 640 : i32
    %dma_wait3A_168 = tpu.memref_slice %arg11[%dma_wait3A_167] : memref<1664xf32, #tpu.memory_space<vmem>> -> memref<128xf32, #tpu.memory_space<vmem>>
    %dma_wait3A_169 = arith.constant 640 : i32
    %dma_wait3A_170 = tpu.memref_slice %arg10[%dma_wait3A_169] : memref<1664xi32, #tpu.memory_space<vmem>> -> memref<128xi32, #tpu.memory_space<vmem>>
    %dma_wait3A_171 = arith.constant 0 : i32
    %dma_wait3A_172 = tpu.memref_slice %arg2[%dma_wait3A_171] : memref<2662400xf32, #tpu.memory_space<hbm>> -> memref<2662400xf32, #tpu.memory_space<hbm>>
    tpu.wait_indirect_dma semaphore(%arg14 : memref<!tpu.dma_semaphore, #tpu.memory_space<semaphore_mem>>) src(%dma_wait3A_172 : memref<2662400xf32, #tpu.memory_space<hbm>>) dst(%dma_wait3A_168 : memref<128xf32, #tpu.memory_space<vmem>>)
    %dma_wait3A_173 = arith.constant 768 : i32
    %dma_wait3A_174 = tpu.memref_slice %arg11[%dma_wait3A_173] : memref<1664xf32, #tpu.memory_space<vmem>> -> memref<128xf32, #tpu.memory_space<vmem>>
    %dma_wait3A_175 = arith.constant 768 : i32
    %dma_wait3A_176 = tpu.memref_slice %arg10[%dma_wait3A_175] : memref<1664xi32, #tpu.memory_space<vmem>> -> memref<128xi32, #tpu.memory_space<vmem>>
    %dma_wait3A_177 = arith.constant 0 : i32
    %dma_wait3A_178 = tpu.memref_slice %arg2[%dma_wait3A_177] : memref<2662400xf32, #tpu.memory_space<hbm>> -> memref<2662400xf32, #tpu.memory_space<hbm>>
    tpu.wait_indirect_dma semaphore(%arg14 : memref<!tpu.dma_semaphore, #tpu.memory_space<semaphore_mem>>) src(%dma_wait3A_178 : memref<2662400xf32, #tpu.memory_space<hbm>>) dst(%dma_wait3A_174 : memref<128xf32, #tpu.memory_space<vmem>>)
    %dma_wait3A_179 = arith.constant 896 : i32
    %dma_wait3A_180 = tpu.memref_slice %arg11[%dma_wait3A_179] : memref<1664xf32, #tpu.memory_space<vmem>> -> memref<128xf32, #tpu.memory_space<vmem>>
    %dma_wait3A_181 = arith.constant 896 : i32
    %dma_wait3A_182 = tpu.memref_slice %arg10[%dma_wait3A_181] : memref<1664xi32, #tpu.memory_space<vmem>> -> memref<128xi32, #tpu.memory_space<vmem>>
    %dma_wait3A_183 = arith.constant 0 : i32
    %dma_wait3A_184 = tpu.memref_slice %arg2[%dma_wait3A_183] : memref<2662400xf32, #tpu.memory_space<hbm>> -> memref<2662400xf32, #tpu.memory_space<hbm>>
    tpu.wait_indirect_dma semaphore(%arg14 : memref<!tpu.dma_semaphore, #tpu.memory_space<semaphore_mem>>) src(%dma_wait3A_184 : memref<2662400xf32, #tpu.memory_space<hbm>>) dst(%dma_wait3A_180 : memref<128xf32, #tpu.memory_space<vmem>>)
    %dma_wait3A_185 = arith.constant 1024 : i32
    %dma_wait3A_186 = tpu.memref_slice %arg11[%dma_wait3A_185] : memref<1664xf32, #tpu.memory_space<vmem>> -> memref<128xf32, #tpu.memory_space<vmem>>
    %dma_wait3A_187 = arith.constant 1024 : i32
    %dma_wait3A_188 = tpu.memref_slice %arg10[%dma_wait3A_187] : memref<1664xi32, #tpu.memory_space<vmem>> -> memref<128xi32, #tpu.memory_space<vmem>>
    %dma_wait3A_189 = arith.constant 0 : i32
    %dma_wait3A_190 = tpu.memref_slice %arg2[%dma_wait3A_189] : memref<2662400xf32, #tpu.memory_space<hbm>> -> memref<2662400xf32, #tpu.memory_space<hbm>>
    tpu.wait_indirect_dma semaphore(%arg14 : memref<!tpu.dma_semaphore, #tpu.memory_space<semaphore_mem>>) src(%dma_wait3A_190 : memref<2662400xf32, #tpu.memory_space<hbm>>) dst(%dma_wait3A_186 : memref<128xf32, #tpu.memory_space<vmem>>)
    %dma_wait3A_191 = arith.constant 1152 : i32
    %dma_wait3A_192 = tpu.memref_slice %arg11[%dma_wait3A_191] : memref<1664xf32, #tpu.memory_space<vmem>> -> memref<128xf32, #tpu.memory_space<vmem>>
    %dma_wait3A_193 = arith.constant 1152 : i32
    %dma_wait3A_194 = tpu.memref_slice %arg10[%dma_wait3A_193] : memref<1664xi32, #tpu.memory_space<vmem>> -> memref<128xi32, #tpu.memory_space<vmem>>
    %dma_wait3A_195 = arith.constant 0 : i32
    %dma_wait3A_196 = tpu.memref_slice %arg2[%dma_wait3A_195] : memref<2662400xf32, #tpu.memory_space<hbm>> -> memref<2662400xf32, #tpu.memory_space<hbm>>
    tpu.wait_indirect_dma semaphore(%arg14 : memref<!tpu.dma_semaphore, #tpu.memory_space<semaphore_mem>>) src(%dma_wait3A_196 : memref<2662400xf32, #tpu.memory_space<hbm>>) dst(%dma_wait3A_192 : memref<128xf32, #tpu.memory_space<vmem>>)
    %dma_wait3A_197 = arith.constant 1280 : i32
    %dma_wait3A_198 = tpu.memref_slice %arg11[%dma_wait3A_197] : memref<1664xf32, #tpu.memory_space<vmem>> -> memref<128xf32, #tpu.memory_space<vmem>>
    %dma_wait3A_199 = arith.constant 1280 : i32
    %dma_wait3A_200 = tpu.memref_slice %arg10[%dma_wait3A_199] : memref<1664xi32, #tpu.memory_space<vmem>> -> memref<128xi32, #tpu.memory_space<vmem>>
    %dma_wait3A_201 = arith.constant 0 : i32
    %dma_wait3A_202 = tpu.memref_slice %arg2[%dma_wait3A_201] : memref<2662400xf32, #tpu.memory_space<hbm>> -> memref<2662400xf32, #tpu.memory_space<hbm>>
    tpu.wait_indirect_dma semaphore(%arg14 : memref<!tpu.dma_semaphore, #tpu.memory_space<semaphore_mem>>) src(%dma_wait3A_202 : memref<2662400xf32, #tpu.memory_space<hbm>>) dst(%dma_wait3A_198 : memref<128xf32, #tpu.memory_space<vmem>>)
    %dma_wait3A_203 = arith.constant 1408 : i32
    %dma_wait3A_204 = tpu.memref_slice %arg11[%dma_wait3A_203] : memref<1664xf32, #tpu.memory_space<vmem>> -> memref<128xf32, #tpu.memory_space<vmem>>
    %dma_wait3A_205 = arith.constant 1408 : i32
    %dma_wait3A_206 = tpu.memref_slice %arg10[%dma_wait3A_205] : memref<1664xi32, #tpu.memory_space<vmem>> -> memref<128xi32, #tpu.memory_space<vmem>>
    %dma_wait3A_207 = arith.constant 0 : i32
    %dma_wait3A_208 = tpu.memref_slice %arg2[%dma_wait3A_207] : memref<2662400xf32, #tpu.memory_space<hbm>> -> memref<2662400xf32, #tpu.memory_space<hbm>>
    tpu.wait_indirect_dma semaphore(%arg14 : memref<!tpu.dma_semaphore, #tpu.memory_space<semaphore_mem>>) src(%dma_wait3A_208 : memref<2662400xf32, #tpu.memory_space<hbm>>) dst(%dma_wait3A_204 : memref<128xf32, #tpu.memory_space<vmem>>)
    %dma_wait3A_209 = arith.constant 1536 : i32
    %dma_wait3A_210 = tpu.memref_slice %arg11[%dma_wait3A_209] : memref<1664xf32, #tpu.memory_space<vmem>> -> memref<128xf32, #tpu.memory_space<vmem>>
    %dma_wait3A_211 = arith.constant 1536 : i32
    %dma_wait3A_212 = tpu.memref_slice %arg10[%dma_wait3A_211] : memref<1664xi32, #tpu.memory_space<vmem>> -> memref<128xi32, #tpu.memory_space<vmem>>
    %dma_wait3A_213 = arith.constant 0 : i32
    %dma_wait3A_214 = tpu.memref_slice %arg2[%dma_wait3A_213] : memref<2662400xf32, #tpu.memory_space<hbm>> -> memref<2662400xf32, #tpu.memory_space<hbm>>
    tpu.wait_indirect_dma semaphore(%arg14 : memref<!tpu.dma_semaphore, #tpu.memory_space<semaphore_mem>>) src(%dma_wait3A_214 : memref<2662400xf32, #tpu.memory_space<hbm>>) dst(%dma_wait3A_210 : memref<128xf32, #tpu.memory_space<vmem>>)
    %dma_wait3A_215 = arith.constant 0 : i32
    %dma_wait3A_216 = tpu.memref_slice %arg12[%dma_wait3A_215] : memref<32xf32, #tpu.memory_space<vmem>> -> memref<16xf32, #tpu.memory_space<vmem>>
    %dma_wait3A_217 = arith.constant 0 : i32
    %dma_wait3A_218 = tpu.memref_slice %arg4[%dma_wait3A_217] : memref<100002xf32, #tpu.memory_space<hbm>> -> memref<100002xf32, #tpu.memory_space<hbm>>
    tpu.wait_indirect_dma semaphore(%arg14 : memref<!tpu.dma_semaphore, #tpu.memory_space<semaphore_mem>>) src(%dma_wait3A_218 : memref<100002xf32, #tpu.memory_space<hbm>>) dst(%dma_wait3A_216 : memref<16xf32, #tpu.memory_space<vmem>>)
    %dma_wait3A_219 = arith.constant 0 : i32
    %dma_wait3A_220 = tpu.memref_slice %arg13[%dma_wait3A_219] : memref<32xf32, #tpu.memory_space<vmem>> -> memref<16xf32, #tpu.memory_space<vmem>>
    %dma_wait3A_221 = arith.constant 0 : i32
    %dma_wait3A_222 = tpu.memref_slice %arg5[%dma_wait3A_221] : memref<100002xf32, #tpu.memory_space<hbm>> -> memref<100002xf32, #tpu.memory_space<hbm>>
    tpu.wait_indirect_dma semaphore(%arg14 : memref<!tpu.dma_semaphore, #tpu.memory_space<semaphore_mem>>) src(%dma_wait3A_222 : memref<100002xf32, #tpu.memory_space<hbm>>) dst(%dma_wait3A_220 : memref<16xf32, #tpu.memory_space<vmem>>)
    %dma_wait3A_223 = arith.constant 16 : i32
    %dma_wait3A_224 = tpu.memref_slice %arg12[%dma_wait3A_223] : memref<32xf32, #tpu.memory_space<vmem>> -> memref<16xf32, #tpu.memory_space<vmem>>
    %dma_wait3A_225 = arith.constant 0 : i32
    %dma_wait3A_226 = tpu.memref_slice %arg4[%dma_wait3A_225] : memref<100002xf32, #tpu.memory_space<hbm>> -> memref<100002xf32, #tpu.memory_space<hbm>>
    tpu.wait_indirect_dma semaphore(%arg14 : memref<!tpu.dma_semaphore, #tpu.memory_space<semaphore_mem>>) src(%dma_wait3A_226 : memref<100002xf32, #tpu.memory_space<hbm>>) dst(%dma_wait3A_224 : memref<16xf32, #tpu.memory_space<vmem>>)
    %dma_wait3A_227 = arith.constant 16 : i32
    %dma_wait3A_228 = tpu.memref_slice %arg13[%dma_wait3A_227] : memref<32xf32, #tpu.memory_space<vmem>> -> memref<16xf32, #tpu.memory_space<vmem>>
    %dma_wait3A_229 = arith.constant 0 : i32
    %dma_wait3A_230 = tpu.memref_slice %arg5[%dma_wait3A_229] : memref<100002xf32, #tpu.memory_space<hbm>> -> memref<100002xf32, #tpu.memory_space<hbm>>
    tpu.wait_indirect_dma semaphore(%arg14 : memref<!tpu.dma_semaphore, #tpu.memory_space<semaphore_mem>>) src(%dma_wait3A_230 : memref<100002xf32, #tpu.memory_space<hbm>>) dst(%dma_wait3A_228 : memref<16xf32, #tpu.memory_space<vmem>>)
    "tpu.region"() ({
      %run_scoped3A = tpu.sem_alloc : memref<!tpu.dma_semaphore, #tpu.memory_space<semaphore_mem>>
      %dma_start3A_235 = arith.constant 0 : i32
      %dma_start3A_236 = tpu.memref_slice %arg11[%dma_start3A_235] : memref<1664xf32, #tpu.memory_space<vmem>> -> memref<1600xf32, #tpu.memory_space<vmem>>
      %dma_start3A_237 = tpu.memref_slice %arg6[%mul3A_2] : memref<51200xf32, #tpu.memory_space<hbm>> -> memref<1600xf32, #tpu.memory_space<hbm>>
      %dma_start3A_238 = tpu.memref_slice %arg6[%mul3A_2] : memref<51200xf32, #tpu.memory_space<hbm>> -> memref<1600xf32, #tpu.memory_space<hbm>>
      %dma_start3A_239 = arith.constant 0 : i32
      %dma_start3A_240 = tpu.memref_slice %arg11[%dma_start3A_239] : memref<1664xf32, #tpu.memory_space<vmem>> -> memref<1600xf32, #tpu.memory_space<vmem>>
      tpu.enqueue_dma source(%dma_start3A_240 : memref<1600xf32, #tpu.memory_space<vmem>>) target(%dma_start3A_238 : memref<1600xf32, #tpu.memory_space<hbm>>) target_semaphore(%run_scoped3A : memref<!tpu.dma_semaphore, #tpu.memory_space<semaphore_mem>>)
      %dma_wait3A_241 = arith.constant 0 : i32
      %dma_wait3A_242 = tpu.memref_slice %arg11[%dma_wait3A_241] : memref<1664xf32, #tpu.memory_space<vmem>> -> memref<1600xf32, #tpu.memory_space<vmem>>
      %dma_wait3A_243 = tpu.memref_slice %arg6[%mul3A_2] : memref<51200xf32, #tpu.memory_space<hbm>> -> memref<1600xf32, #tpu.memory_space<hbm>>
      %dma_wait3A_244 = tpu.memref_slice %arg6[%mul3A_2] : memref<51200xf32, #tpu.memory_space<hbm>> -> memref<1600xf32, #tpu.memory_space<hbm>>
      %dma_wait3A_245 = arith.constant 0 : i32
      %dma_wait3A_246 = tpu.memref_slice %arg11[%dma_wait3A_245] : memref<1664xf32, #tpu.memory_space<vmem>> -> memref<1600xf32, #tpu.memory_space<vmem>>
      tpu.wait_dma2 semaphore(%run_scoped3A : memref<!tpu.dma_semaphore, #tpu.memory_space<semaphore_mem>>) src(%dma_wait3A_246 : memref<1600xf32, #tpu.memory_space<vmem>>) dst(%dma_wait3A_244 : memref<1600xf32, #tpu.memory_space<hbm>>)
      tpu.yield
    }) : () -> ()
    %mul3A_231 = arith.constant 32 : i32
    %mul3A_232 = arith.muli %add3A, %mul3A_231 : i32
    "tpu.region"() ({
      %run_scoped3A = tpu.sem_alloc : memref<!tpu.dma_semaphore, #tpu.memory_space<semaphore_mem>>
      %dma_start3A_235 = tpu.memref_slice %arg7[%mul3A_232] : memref<1024xf32, #tpu.memory_space<hbm>> -> memref<32xf32, #tpu.memory_space<hbm>>
      %dma_start3A_236 = tpu.memref_slice %arg7[%mul3A_232] : memref<1024xf32, #tpu.memory_space<hbm>> -> memref<32xf32, #tpu.memory_space<hbm>>
      tpu.enqueue_dma source(%arg12 : memref<32xf32, #tpu.memory_space<vmem>>) target(%dma_start3A_236 : memref<32xf32, #tpu.memory_space<hbm>>) target_semaphore(%run_scoped3A : memref<!tpu.dma_semaphore, #tpu.memory_space<semaphore_mem>>)
      %dma_wait3A_237 = tpu.memref_slice %arg7[%mul3A_232] : memref<1024xf32, #tpu.memory_space<hbm>> -> memref<32xf32, #tpu.memory_space<hbm>>
      %dma_wait3A_238 = tpu.memref_slice %arg7[%mul3A_232] : memref<1024xf32, #tpu.memory_space<hbm>> -> memref<32xf32, #tpu.memory_space<hbm>>
      tpu.wait_dma2 semaphore(%run_scoped3A : memref<!tpu.dma_semaphore, #tpu.memory_space<semaphore_mem>>) src(%arg12 : memref<32xf32, #tpu.memory_space<vmem>>) dst(%dma_wait3A_238 : memref<32xf32, #tpu.memory_space<hbm>>)
      tpu.yield
    }) : () -> ()
    %mul3A_233 = arith.constant 32 : i32
    %mul3A_234 = arith.muli %add3A, %mul3A_233 : i32
    "tpu.region"() ({
      %run_scoped3A = tpu.sem_alloc : memref<!tpu.dma_semaphore, #tpu.memory_space<semaphore_mem>>
      %dma_start3A_235 = tpu.memref_slice %arg8[%mul3A_234] : memref<1024xf32, #tpu.memory_space<hbm>> -> memref<32xf32, #tpu.memory_space<hbm>>
      %dma_start3A_236 = tpu.memref_slice %arg8[%mul3A_234] : memref<1024xf32, #tpu.memory_space<hbm>> -> memref<32xf32, #tpu.memory_space<hbm>>
      tpu.enqueue_dma source(%arg13 : memref<32xf32, #tpu.memory_space<vmem>>) target(%dma_start3A_236 : memref<32xf32, #tpu.memory_space<hbm>>) target_semaphore(%run_scoped3A : memref<!tpu.dma_semaphore, #tpu.memory_space<semaphore_mem>>)
      %dma_wait3A_237 = tpu.memref_slice %arg8[%mul3A_234] : memref<1024xf32, #tpu.memory_space<hbm>> -> memref<32xf32, #tpu.memory_space<hbm>>
      %dma_wait3A_238 = tpu.memref_slice %arg8[%mul3A_234] : memref<1024xf32, #tpu.memory_space<hbm>> -> memref<32xf32, #tpu.memory_space<hbm>>
      tpu.wait_dma2 semaphore(%run_scoped3A : memref<!tpu.dma_semaphore, #tpu.memory_space<semaphore_mem>>) src(%arg13 : memref<32xf32, #tpu.memory_space<vmem>>) dst(%dma_wait3A_238 : memref<32xf32, #tpu.memory_space<hbm>>)
      tpu.yield
    }) : () -> ()
    return
  }
}

module attributes {stable_mosaic.version = 14 : i64} {
  func.func @_tc_body(%arg0: i32, %arg1: memref<1024x50xf32, #tpu.memory_space<vmem>>, %arg2: memref<1024x50xf32, #tpu.memory_space<vmem>>, %arg3: memref<1024x50xf32, #tpu.memory_space<vmem>>, %arg4: memref<1024xf32, #tpu.memory_space<vmem>>, %arg5: memref<1024xf32, #tpu.memory_space<vmem>>, %arg6: memref<1024xi32, #tpu.memory_space<vmem>>, %arg7: memref<1024xi32, #tpu.memory_space<vmem>>, %arg8: memref<1024xf32, #tpu.memory_space<vmem>>, %arg9: memref<1x1xf32, #tpu.memory_space<vmem>>, %arg10: memref<2xf32, #tpu.memory_space<smem>>) attributes {dimension_semantics = [#tpu.dimension_semantics<arbitrary>], iteration_bounds = array<i64: 1>, scalar_prefetch = 0 : i64, scratch_operands = 1 : i64, tpu.core_type = #tpu.core_type<tc>, window_params = [{transform_indices = @transform_0, window_bounds = array<i64: 1024, 50>}, {transform_indices = @transform_1, window_bounds = array<i64: 1024, 50>}, {transform_indices = @transform_2, window_bounds = array<i64: 1024, 50>}, {transform_indices = @transform_3, window_bounds = array<i64: 1024>}, {transform_indices = @transform_4, window_bounds = array<i64: 1024>}, {transform_indices = @transform_5, window_bounds = array<i64: 1024>}, {transform_indices = @transform_6, window_bounds = array<i64: 1024>}, {transform_indices = @transform_7, window_bounds = array<i64: 1024>}, {pipeline_mode = #tpu.pipeline_mode<synchronous>, transform_indices = @transform_8, window_bounds = array<i64: 1, 1>}]} {
    %get3A = arith.constant 0 : index
    %get3A_0 = arith.constant 0 : index
    %get3A_1 = vector.load %arg1[%get3A, %get3A_0] : memref<1024x50xf32, #tpu.memory_space<vmem>>, vector<1024x50xf32>
    %get3A_2 = arith.constant 0 : index
    %get3A_3 = arith.constant 0 : index
    %get3A_4 = vector.load %arg2[%get3A_2, %get3A_3] : memref<1024x50xf32, #tpu.memory_space<vmem>>, vector<1024x50xf32>
    %ne3A = arith.constant -1.000000e+00 : f32
    %ne3A_5 = vector.broadcast %ne3A : f32 to vector<1024x50xf32>
    %ne3A_6 = arith.cmpf one, %get3A_4, %ne3A_5 : vector<1024x50xf32>
    %convert_element_type3A = arith.extui %ne3A_6 : vector<1024x50xi1> to vector<1024x50xi32>
    %convert_element_type3A_7 = arith.sitofp %convert_element_type3A : vector<1024x50xi32> to vector<1024x50xf32>
    %reduce_sum3A = arith.constant dense<0.000000e+00> : vector<1024xf32>
    %reduce_sum3A_8 = vector.multi_reduction <add>, %convert_element_type3A_7, %reduce_sum3A [1] : vector<1024x50xf32> to vector<1024xf32>
    %broadcast_in_dim3A = vector.shape_cast %reduce_sum3A_8 : vector<1024xf32> to vector<1024x1xf32>
    %broadcast_in_dim3A_9 = arith.constant 0.000000e+00 : f32
    %broadcast_in_dim3A_10 = vector.broadcast %broadcast_in_dim3A_9 : f32 to vector<1024x50xf32>
    %slice3A = vector.extract_strided_slice %get3A_1 {offsets = [0, 0], sizes = [1024, 1], strides = [1, 1]} : vector<1024x50xf32> to vector<1024x1xf32>
    %sub3A = vector.broadcast %slice3A : vector<1024x1xf32> to vector<1024x50xf32>
    %sub3A_11 = arith.subf %sub3A, %get3A_1 : vector<1024x50xf32>
    %add3A = arith.constant 1.000000e+00 : f32
    %add3A_12 = vector.broadcast %add3A : f32 to vector<1024x50xf32>
    %add3A_13 = arith.addf %sub3A_11, %add3A_12 : vector<1024x50xf32>
    %max3A = arith.constant 0.000000e+00 : f32
    %max3A_14 = vector.broadcast %max3A : f32 to vector<1024x50xf32>
    %max3A_15 = arith.maximumf %add3A_13, %max3A_14 : vector<1024x50xf32>
    %slice3A_16 = vector.extract_strided_slice %convert_element_type3A_7 {offsets = [0, 0], sizes = [1024, 1], strides = [1, 1]} : vector<1024x50xf32> to vector<1024x1xf32>
    %mul3A = arith.mulf %max3A_15, %max3A_15 : vector<1024x50xf32>
    %mul3A_17 = vector.broadcast %slice3A_16 : vector<1024x1xf32> to vector<1024x50xf32>
    %mul3A_18 = arith.mulf %mul3A_17, %mul3A : vector<1024x50xf32>
    %add3A_19 = arith.addf %broadcast_in_dim3A_10, %mul3A_18 : vector<1024x50xf32>
    %slice3A_20 = vector.extract_strided_slice %get3A_1 {offsets = [0, 1], sizes = [1024, 1], strides = [1, 1]} : vector<1024x50xf32> to vector<1024x1xf32>
    %sub3A_21 = vector.broadcast %slice3A_20 : vector<1024x1xf32> to vector<1024x50xf32>
    %sub3A_22 = arith.subf %sub3A_21, %get3A_1 : vector<1024x50xf32>
    %add3A_23 = arith.constant 1.000000e+00 : f32
    %add3A_24 = vector.broadcast %add3A_23 : f32 to vector<1024x50xf32>
    %add3A_25 = arith.addf %sub3A_22, %add3A_24 : vector<1024x50xf32>
    %max3A_26 = arith.constant 0.000000e+00 : f32
    %max3A_27 = vector.broadcast %max3A_26 : f32 to vector<1024x50xf32>
    %max3A_28 = arith.maximumf %add3A_25, %max3A_27 : vector<1024x50xf32>
    %slice3A_29 = vector.extract_strided_slice %convert_element_type3A_7 {offsets = [0, 1], sizes = [1024, 1], strides = [1, 1]} : vector<1024x50xf32> to vector<1024x1xf32>
    %mul3A_30 = arith.mulf %max3A_28, %max3A_28 : vector<1024x50xf32>
    %mul3A_31 = vector.broadcast %slice3A_29 : vector<1024x1xf32> to vector<1024x50xf32>
    %mul3A_32 = arith.mulf %mul3A_31, %mul3A_30 : vector<1024x50xf32>
    %add3A_33 = arith.addf %add3A_19, %mul3A_32 : vector<1024x50xf32>
    %slice3A_34 = vector.extract_strided_slice %get3A_1 {offsets = [0, 2], sizes = [1024, 1], strides = [1, 1]} : vector<1024x50xf32> to vector<1024x1xf32>
    %sub3A_35 = vector.broadcast %slice3A_34 : vector<1024x1xf32> to vector<1024x50xf32>
    %sub3A_36 = arith.subf %sub3A_35, %get3A_1 : vector<1024x50xf32>
    %add3A_37 = arith.constant 1.000000e+00 : f32
    %add3A_38 = vector.broadcast %add3A_37 : f32 to vector<1024x50xf32>
    %add3A_39 = arith.addf %sub3A_36, %add3A_38 : vector<1024x50xf32>
    %max3A_40 = arith.constant 0.000000e+00 : f32
    %max3A_41 = vector.broadcast %max3A_40 : f32 to vector<1024x50xf32>
    %max3A_42 = arith.maximumf %add3A_39, %max3A_41 : vector<1024x50xf32>
    %slice3A_43 = vector.extract_strided_slice %convert_element_type3A_7 {offsets = [0, 2], sizes = [1024, 1], strides = [1, 1]} : vector<1024x50xf32> to vector<1024x1xf32>
    %mul3A_44 = arith.mulf %max3A_42, %max3A_42 : vector<1024x50xf32>
    %mul3A_45 = vector.broadcast %slice3A_43 : vector<1024x1xf32> to vector<1024x50xf32>
    %mul3A_46 = arith.mulf %mul3A_45, %mul3A_44 : vector<1024x50xf32>
    %add3A_47 = arith.addf %add3A_33, %mul3A_46 : vector<1024x50xf32>
    %slice3A_48 = vector.extract_strided_slice %get3A_1 {offsets = [0, 3], sizes = [1024, 1], strides = [1, 1]} : vector<1024x50xf32> to vector<1024x1xf32>
    %sub3A_49 = vector.broadcast %slice3A_48 : vector<1024x1xf32> to vector<1024x50xf32>
    %sub3A_50 = arith.subf %sub3A_49, %get3A_1 : vector<1024x50xf32>
    %add3A_51 = arith.constant 1.000000e+00 : f32
    %add3A_52 = vector.broadcast %add3A_51 : f32 to vector<1024x50xf32>
    %add3A_53 = arith.addf %sub3A_50, %add3A_52 : vector<1024x50xf32>
    %max3A_54 = arith.constant 0.000000e+00 : f32
    %max3A_55 = vector.broadcast %max3A_54 : f32 to vector<1024x50xf32>
    %max3A_56 = arith.maximumf %add3A_53, %max3A_55 : vector<1024x50xf32>
    %slice3A_57 = vector.extract_strided_slice %convert_element_type3A_7 {offsets = [0, 3], sizes = [1024, 1], strides = [1, 1]} : vector<1024x50xf32> to vector<1024x1xf32>
    %mul3A_58 = arith.mulf %max3A_56, %max3A_56 : vector<1024x50xf32>
    %mul3A_59 = vector.broadcast %slice3A_57 : vector<1024x1xf32> to vector<1024x50xf32>
    %mul3A_60 = arith.mulf %mul3A_59, %mul3A_58 : vector<1024x50xf32>
    %add3A_61 = arith.addf %add3A_47, %mul3A_60 : vector<1024x50xf32>
    %slice3A_62 = vector.extract_strided_slice %get3A_1 {offsets = [0, 4], sizes = [1024, 1], strides = [1, 1]} : vector<1024x50xf32> to vector<1024x1xf32>
    %sub3A_63 = vector.broadcast %slice3A_62 : vector<1024x1xf32> to vector<1024x50xf32>
    %sub3A_64 = arith.subf %sub3A_63, %get3A_1 : vector<1024x50xf32>
    %add3A_65 = arith.constant 1.000000e+00 : f32
    %add3A_66 = vector.broadcast %add3A_65 : f32 to vector<1024x50xf32>
    %add3A_67 = arith.addf %sub3A_64, %add3A_66 : vector<1024x50xf32>
    %max3A_68 = arith.constant 0.000000e+00 : f32
    %max3A_69 = vector.broadcast %max3A_68 : f32 to vector<1024x50xf32>
    %max3A_70 = arith.maximumf %add3A_67, %max3A_69 : vector<1024x50xf32>
    %slice3A_71 = vector.extract_strided_slice %convert_element_type3A_7 {offsets = [0, 4], sizes = [1024, 1], strides = [1, 1]} : vector<1024x50xf32> to vector<1024x1xf32>
    %mul3A_72 = arith.mulf %max3A_70, %max3A_70 : vector<1024x50xf32>
    %mul3A_73 = vector.broadcast %slice3A_71 : vector<1024x1xf32> to vector<1024x50xf32>
    %mul3A_74 = arith.mulf %mul3A_73, %mul3A_72 : vector<1024x50xf32>
    %add3A_75 = arith.addf %add3A_61, %mul3A_74 : vector<1024x50xf32>
    %slice3A_76 = vector.extract_strided_slice %get3A_1 {offsets = [0, 5], sizes = [1024, 1], strides = [1, 1]} : vector<1024x50xf32> to vector<1024x1xf32>
    %sub3A_77 = vector.broadcast %slice3A_76 : vector<1024x1xf32> to vector<1024x50xf32>
    %sub3A_78 = arith.subf %sub3A_77, %get3A_1 : vector<1024x50xf32>
    %add3A_79 = arith.constant 1.000000e+00 : f32
    %add3A_80 = vector.broadcast %add3A_79 : f32 to vector<1024x50xf32>
    %add3A_81 = arith.addf %sub3A_78, %add3A_80 : vector<1024x50xf32>
    %max3A_82 = arith.constant 0.000000e+00 : f32
    %max3A_83 = vector.broadcast %max3A_82 : f32 to vector<1024x50xf32>
    %max3A_84 = arith.maximumf %add3A_81, %max3A_83 : vector<1024x50xf32>
    %slice3A_85 = vector.extract_strided_slice %convert_element_type3A_7 {offsets = [0, 5], sizes = [1024, 1], strides = [1, 1]} : vector<1024x50xf32> to vector<1024x1xf32>
    %mul3A_86 = arith.mulf %max3A_84, %max3A_84 : vector<1024x50xf32>
    %mul3A_87 = vector.broadcast %slice3A_85 : vector<1024x1xf32> to vector<1024x50xf32>
    %mul3A_88 = arith.mulf %mul3A_87, %mul3A_86 : vector<1024x50xf32>
    %add3A_89 = arith.addf %add3A_75, %mul3A_88 : vector<1024x50xf32>
    %slice3A_90 = vector.extract_strided_slice %get3A_1 {offsets = [0, 6], sizes = [1024, 1], strides = [1, 1]} : vector<1024x50xf32> to vector<1024x1xf32>
    %sub3A_91 = vector.broadcast %slice3A_90 : vector<1024x1xf32> to vector<1024x50xf32>
    %sub3A_92 = arith.subf %sub3A_91, %get3A_1 : vector<1024x50xf32>
    %add3A_93 = arith.constant 1.000000e+00 : f32
    %add3A_94 = vector.broadcast %add3A_93 : f32 to vector<1024x50xf32>
    %add3A_95 = arith.addf %sub3A_92, %add3A_94 : vector<1024x50xf32>
    %max3A_96 = arith.constant 0.000000e+00 : f32
    %max3A_97 = vector.broadcast %max3A_96 : f32 to vector<1024x50xf32>
    %max3A_98 = arith.maximumf %add3A_95, %max3A_97 : vector<1024x50xf32>
    %slice3A_99 = vector.extract_strided_slice %convert_element_type3A_7 {offsets = [0, 6], sizes = [1024, 1], strides = [1, 1]} : vector<1024x50xf32> to vector<1024x1xf32>
    %mul3A_100 = arith.mulf %max3A_98, %max3A_98 : vector<1024x50xf32>
    %mul3A_101 = vector.broadcast %slice3A_99 : vector<1024x1xf32> to vector<1024x50xf32>
    %mul3A_102 = arith.mulf %mul3A_101, %mul3A_100 : vector<1024x50xf32>
    %add3A_103 = arith.addf %add3A_89, %mul3A_102 : vector<1024x50xf32>
    %slice3A_104 = vector.extract_strided_slice %get3A_1 {offsets = [0, 7], sizes = [1024, 1], strides = [1, 1]} : vector<1024x50xf32> to vector<1024x1xf32>
    %sub3A_105 = vector.broadcast %slice3A_104 : vector<1024x1xf32> to vector<1024x50xf32>
    %sub3A_106 = arith.subf %sub3A_105, %get3A_1 : vector<1024x50xf32>
    %add3A_107 = arith.constant 1.000000e+00 : f32
    %add3A_108 = vector.broadcast %add3A_107 : f32 to vector<1024x50xf32>
    %add3A_109 = arith.addf %sub3A_106, %add3A_108 : vector<1024x50xf32>
    %max3A_110 = arith.constant 0.000000e+00 : f32
    %max3A_111 = vector.broadcast %max3A_110 : f32 to vector<1024x50xf32>
    %max3A_112 = arith.maximumf %add3A_109, %max3A_111 : vector<1024x50xf32>
    %slice3A_113 = vector.extract_strided_slice %convert_element_type3A_7 {offsets = [0, 7], sizes = [1024, 1], strides = [1, 1]} : vector<1024x50xf32> to vector<1024x1xf32>
    %mul3A_114 = arith.mulf %max3A_112, %max3A_112 : vector<1024x50xf32>
    %mul3A_115 = vector.broadcast %slice3A_113 : vector<1024x1xf32> to vector<1024x50xf32>
    %mul3A_116 = arith.mulf %mul3A_115, %mul3A_114 : vector<1024x50xf32>
    %add3A_117 = arith.addf %add3A_103, %mul3A_116 : vector<1024x50xf32>
    %slice3A_118 = vector.extract_strided_slice %get3A_1 {offsets = [0, 8], sizes = [1024, 1], strides = [1, 1]} : vector<1024x50xf32> to vector<1024x1xf32>
    %sub3A_119 = vector.broadcast %slice3A_118 : vector<1024x1xf32> to vector<1024x50xf32>
    %sub3A_120 = arith.subf %sub3A_119, %get3A_1 : vector<1024x50xf32>
    %add3A_121 = arith.constant 1.000000e+00 : f32
    %add3A_122 = vector.broadcast %add3A_121 : f32 to vector<1024x50xf32>
    %add3A_123 = arith.addf %sub3A_120, %add3A_122 : vector<1024x50xf32>
    %max3A_124 = arith.constant 0.000000e+00 : f32
    %max3A_125 = vector.broadcast %max3A_124 : f32 to vector<1024x50xf32>
    %max3A_126 = arith.maximumf %add3A_123, %max3A_125 : vector<1024x50xf32>
    %slice3A_127 = vector.extract_strided_slice %convert_element_type3A_7 {offsets = [0, 8], sizes = [1024, 1], strides = [1, 1]} : vector<1024x50xf32> to vector<1024x1xf32>
    %mul3A_128 = arith.mulf %max3A_126, %max3A_126 : vector<1024x50xf32>
    %mul3A_129 = vector.broadcast %slice3A_127 : vector<1024x1xf32> to vector<1024x50xf32>
    %mul3A_130 = arith.mulf %mul3A_129, %mul3A_128 : vector<1024x50xf32>
    %add3A_131 = arith.addf %add3A_117, %mul3A_130 : vector<1024x50xf32>
    %slice3A_132 = vector.extract_strided_slice %get3A_1 {offsets = [0, 9], sizes = [1024, 1], strides = [1, 1]} : vector<1024x50xf32> to vector<1024x1xf32>
    %sub3A_133 = vector.broadcast %slice3A_132 : vector<1024x1xf32> to vector<1024x50xf32>
    %sub3A_134 = arith.subf %sub3A_133, %get3A_1 : vector<1024x50xf32>
    %add3A_135 = arith.constant 1.000000e+00 : f32
    %add3A_136 = vector.broadcast %add3A_135 : f32 to vector<1024x50xf32>
    %add3A_137 = arith.addf %sub3A_134, %add3A_136 : vector<1024x50xf32>
    %max3A_138 = arith.constant 0.000000e+00 : f32
    %max3A_139 = vector.broadcast %max3A_138 : f32 to vector<1024x50xf32>
    %max3A_140 = arith.maximumf %add3A_137, %max3A_139 : vector<1024x50xf32>
    %slice3A_141 = vector.extract_strided_slice %convert_element_type3A_7 {offsets = [0, 9], sizes = [1024, 1], strides = [1, 1]} : vector<1024x50xf32> to vector<1024x1xf32>
    %mul3A_142 = arith.mulf %max3A_140, %max3A_140 : vector<1024x50xf32>
    %mul3A_143 = vector.broadcast %slice3A_141 : vector<1024x1xf32> to vector<1024x50xf32>
    %mul3A_144 = arith.mulf %mul3A_143, %mul3A_142 : vector<1024x50xf32>
    %add3A_145 = arith.addf %add3A_131, %mul3A_144 : vector<1024x50xf32>
    %slice3A_146 = vector.extract_strided_slice %get3A_1 {offsets = [0, 10], sizes = [1024, 1], strides = [1, 1]} : vector<1024x50xf32> to vector<1024x1xf32>
    %sub3A_147 = vector.broadcast %slice3A_146 : vector<1024x1xf32> to vector<1024x50xf32>
    %sub3A_148 = arith.subf %sub3A_147, %get3A_1 : vector<1024x50xf32>
    %add3A_149 = arith.constant 1.000000e+00 : f32
    %add3A_150 = vector.broadcast %add3A_149 : f32 to vector<1024x50xf32>
    %add3A_151 = arith.addf %sub3A_148, %add3A_150 : vector<1024x50xf32>
    %max3A_152 = arith.constant 0.000000e+00 : f32
    %max3A_153 = vector.broadcast %max3A_152 : f32 to vector<1024x50xf32>
    %max3A_154 = arith.maximumf %add3A_151, %max3A_153 : vector<1024x50xf32>
    %slice3A_155 = vector.extract_strided_slice %convert_element_type3A_7 {offsets = [0, 10], sizes = [1024, 1], strides = [1, 1]} : vector<1024x50xf32> to vector<1024x1xf32>
    %mul3A_156 = arith.mulf %max3A_154, %max3A_154 : vector<1024x50xf32>
    %mul3A_157 = vector.broadcast %slice3A_155 : vector<1024x1xf32> to vector<1024x50xf32>
    %mul3A_158 = arith.mulf %mul3A_157, %mul3A_156 : vector<1024x50xf32>
    %add3A_159 = arith.addf %add3A_145, %mul3A_158 : vector<1024x50xf32>
    %slice3A_160 = vector.extract_strided_slice %get3A_1 {offsets = [0, 11], sizes = [1024, 1], strides = [1, 1]} : vector<1024x50xf32> to vector<1024x1xf32>
    %sub3A_161 = vector.broadcast %slice3A_160 : vector<1024x1xf32> to vector<1024x50xf32>
    %sub3A_162 = arith.subf %sub3A_161, %get3A_1 : vector<1024x50xf32>
    %add3A_163 = arith.constant 1.000000e+00 : f32
    %add3A_164 = vector.broadcast %add3A_163 : f32 to vector<1024x50xf32>
    %add3A_165 = arith.addf %sub3A_162, %add3A_164 : vector<1024x50xf32>
    %max3A_166 = arith.constant 0.000000e+00 : f32
    %max3A_167 = vector.broadcast %max3A_166 : f32 to vector<1024x50xf32>
    %max3A_168 = arith.maximumf %add3A_165, %max3A_167 : vector<1024x50xf32>
    %slice3A_169 = vector.extract_strided_slice %convert_element_type3A_7 {offsets = [0, 11], sizes = [1024, 1], strides = [1, 1]} : vector<1024x50xf32> to vector<1024x1xf32>
    %mul3A_170 = arith.mulf %max3A_168, %max3A_168 : vector<1024x50xf32>
    %mul3A_171 = vector.broadcast %slice3A_169 : vector<1024x1xf32> to vector<1024x50xf32>
    %mul3A_172 = arith.mulf %mul3A_171, %mul3A_170 : vector<1024x50xf32>
    %add3A_173 = arith.addf %add3A_159, %mul3A_172 : vector<1024x50xf32>
    %slice3A_174 = vector.extract_strided_slice %get3A_1 {offsets = [0, 12], sizes = [1024, 1], strides = [1, 1]} : vector<1024x50xf32> to vector<1024x1xf32>
    %sub3A_175 = vector.broadcast %slice3A_174 : vector<1024x1xf32> to vector<1024x50xf32>
    %sub3A_176 = arith.subf %sub3A_175, %get3A_1 : vector<1024x50xf32>
    %add3A_177 = arith.constant 1.000000e+00 : f32
    %add3A_178 = vector.broadcast %add3A_177 : f32 to vector<1024x50xf32>
    %add3A_179 = arith.addf %sub3A_176, %add3A_178 : vector<1024x50xf32>
    %max3A_180 = arith.constant 0.000000e+00 : f32
    %max3A_181 = vector.broadcast %max3A_180 : f32 to vector<1024x50xf32>
    %max3A_182 = arith.maximumf %add3A_179, %max3A_181 : vector<1024x50xf32>
    %slice3A_183 = vector.extract_strided_slice %convert_element_type3A_7 {offsets = [0, 12], sizes = [1024, 1], strides = [1, 1]} : vector<1024x50xf32> to vector<1024x1xf32>
    %mul3A_184 = arith.mulf %max3A_182, %max3A_182 : vector<1024x50xf32>
    %mul3A_185 = vector.broadcast %slice3A_183 : vector<1024x1xf32> to vector<1024x50xf32>
    %mul3A_186 = arith.mulf %mul3A_185, %mul3A_184 : vector<1024x50xf32>
    %add3A_187 = arith.addf %add3A_173, %mul3A_186 : vector<1024x50xf32>
    %slice3A_188 = vector.extract_strided_slice %get3A_1 {offsets = [0, 13], sizes = [1024, 1], strides = [1, 1]} : vector<1024x50xf32> to vector<1024x1xf32>
    %sub3A_189 = vector.broadcast %slice3A_188 : vector<1024x1xf32> to vector<1024x50xf32>
    %sub3A_190 = arith.subf %sub3A_189, %get3A_1 : vector<1024x50xf32>
    %add3A_191 = arith.constant 1.000000e+00 : f32
    %add3A_192 = vector.broadcast %add3A_191 : f32 to vector<1024x50xf32>
    %add3A_193 = arith.addf %sub3A_190, %add3A_192 : vector<1024x50xf32>
    %max3A_194 = arith.constant 0.000000e+00 : f32
    %max3A_195 = vector.broadcast %max3A_194 : f32 to vector<1024x50xf32>
    %max3A_196 = arith.maximumf %add3A_193, %max3A_195 : vector<1024x50xf32>
    %slice3A_197 = vector.extract_strided_slice %convert_element_type3A_7 {offsets = [0, 13], sizes = [1024, 1], strides = [1, 1]} : vector<1024x50xf32> to vector<1024x1xf32>
    %mul3A_198 = arith.mulf %max3A_196, %max3A_196 : vector<1024x50xf32>
    %mul3A_199 = vector.broadcast %slice3A_197 : vector<1024x1xf32> to vector<1024x50xf32>
    %mul3A_200 = arith.mulf %mul3A_199, %mul3A_198 : vector<1024x50xf32>
    %add3A_201 = arith.addf %add3A_187, %mul3A_200 : vector<1024x50xf32>
    %slice3A_202 = vector.extract_strided_slice %get3A_1 {offsets = [0, 14], sizes = [1024, 1], strides = [1, 1]} : vector<1024x50xf32> to vector<1024x1xf32>
    %sub3A_203 = vector.broadcast %slice3A_202 : vector<1024x1xf32> to vector<1024x50xf32>
    %sub3A_204 = arith.subf %sub3A_203, %get3A_1 : vector<1024x50xf32>
    %add3A_205 = arith.constant 1.000000e+00 : f32
    %add3A_206 = vector.broadcast %add3A_205 : f32 to vector<1024x50xf32>
    %add3A_207 = arith.addf %sub3A_204, %add3A_206 : vector<1024x50xf32>
    %max3A_208 = arith.constant 0.000000e+00 : f32
    %max3A_209 = vector.broadcast %max3A_208 : f32 to vector<1024x50xf32>
    %max3A_210 = arith.maximumf %add3A_207, %max3A_209 : vector<1024x50xf32>
    %slice3A_211 = vector.extract_strided_slice %convert_element_type3A_7 {offsets = [0, 14], sizes = [1024, 1], strides = [1, 1]} : vector<1024x50xf32> to vector<1024x1xf32>
    %mul3A_212 = arith.mulf %max3A_210, %max3A_210 : vector<1024x50xf32>
    %mul3A_213 = vector.broadcast %slice3A_211 : vector<1024x1xf32> to vector<1024x50xf32>
    %mul3A_214 = arith.mulf %mul3A_213, %mul3A_212 : vector<1024x50xf32>
    %add3A_215 = arith.addf %add3A_201, %mul3A_214 : vector<1024x50xf32>
    %slice3A_216 = vector.extract_strided_slice %get3A_1 {offsets = [0, 15], sizes = [1024, 1], strides = [1, 1]} : vector<1024x50xf32> to vector<1024x1xf32>
    %sub3A_217 = vector.broadcast %slice3A_216 : vector<1024x1xf32> to vector<1024x50xf32>
    %sub3A_218 = arith.subf %sub3A_217, %get3A_1 : vector<1024x50xf32>
    %add3A_219 = arith.constant 1.000000e+00 : f32
    %add3A_220 = vector.broadcast %add3A_219 : f32 to vector<1024x50xf32>
    %add3A_221 = arith.addf %sub3A_218, %add3A_220 : vector<1024x50xf32>
    %max3A_222 = arith.constant 0.000000e+00 : f32
    %max3A_223 = vector.broadcast %max3A_222 : f32 to vector<1024x50xf32>
    %max3A_224 = arith.maximumf %add3A_221, %max3A_223 : vector<1024x50xf32>
    %slice3A_225 = vector.extract_strided_slice %convert_element_type3A_7 {offsets = [0, 15], sizes = [1024, 1], strides = [1, 1]} : vector<1024x50xf32> to vector<1024x1xf32>
    %mul3A_226 = arith.mulf %max3A_224, %max3A_224 : vector<1024x50xf32>
    %mul3A_227 = vector.broadcast %slice3A_225 : vector<1024x1xf32> to vector<1024x50xf32>
    %mul3A_228 = arith.mulf %mul3A_227, %mul3A_226 : vector<1024x50xf32>
    %add3A_229 = arith.addf %add3A_215, %mul3A_228 : vector<1024x50xf32>
    %slice3A_230 = vector.extract_strided_slice %get3A_1 {offsets = [0, 16], sizes = [1024, 1], strides = [1, 1]} : vector<1024x50xf32> to vector<1024x1xf32>
    %sub3A_231 = vector.broadcast %slice3A_230 : vector<1024x1xf32> to vector<1024x50xf32>
    %sub3A_232 = arith.subf %sub3A_231, %get3A_1 : vector<1024x50xf32>
    %add3A_233 = arith.constant 1.000000e+00 : f32
    %add3A_234 = vector.broadcast %add3A_233 : f32 to vector<1024x50xf32>
    %add3A_235 = arith.addf %sub3A_232, %add3A_234 : vector<1024x50xf32>
    %max3A_236 = arith.constant 0.000000e+00 : f32
    %max3A_237 = vector.broadcast %max3A_236 : f32 to vector<1024x50xf32>
    %max3A_238 = arith.maximumf %add3A_235, %max3A_237 : vector<1024x50xf32>
    %slice3A_239 = vector.extract_strided_slice %convert_element_type3A_7 {offsets = [0, 16], sizes = [1024, 1], strides = [1, 1]} : vector<1024x50xf32> to vector<1024x1xf32>
    %mul3A_240 = arith.mulf %max3A_238, %max3A_238 : vector<1024x50xf32>
    %mul3A_241 = vector.broadcast %slice3A_239 : vector<1024x1xf32> to vector<1024x50xf32>
    %mul3A_242 = arith.mulf %mul3A_241, %mul3A_240 : vector<1024x50xf32>
    %add3A_243 = arith.addf %add3A_229, %mul3A_242 : vector<1024x50xf32>
    %slice3A_244 = vector.extract_strided_slice %get3A_1 {offsets = [0, 17], sizes = [1024, 1], strides = [1, 1]} : vector<1024x50xf32> to vector<1024x1xf32>
    %sub3A_245 = vector.broadcast %slice3A_244 : vector<1024x1xf32> to vector<1024x50xf32>
    %sub3A_246 = arith.subf %sub3A_245, %get3A_1 : vector<1024x50xf32>
    %add3A_247 = arith.constant 1.000000e+00 : f32
    %add3A_248 = vector.broadcast %add3A_247 : f32 to vector<1024x50xf32>
    %add3A_249 = arith.addf %sub3A_246, %add3A_248 : vector<1024x50xf32>
    %max3A_250 = arith.constant 0.000000e+00 : f32
    %max3A_251 = vector.broadcast %max3A_250 : f32 to vector<1024x50xf32>
    %max3A_252 = arith.maximumf %add3A_249, %max3A_251 : vector<1024x50xf32>
    %slice3A_253 = vector.extract_strided_slice %convert_element_type3A_7 {offsets = [0, 17], sizes = [1024, 1], strides = [1, 1]} : vector<1024x50xf32> to vector<1024x1xf32>
    %mul3A_254 = arith.mulf %max3A_252, %max3A_252 : vector<1024x50xf32>
    %mul3A_255 = vector.broadcast %slice3A_253 : vector<1024x1xf32> to vector<1024x50xf32>
    %mul3A_256 = arith.mulf %mul3A_255, %mul3A_254 : vector<1024x50xf32>
    %add3A_257 = arith.addf %add3A_243, %mul3A_256 : vector<1024x50xf32>
    %slice3A_258 = vector.extract_strided_slice %get3A_1 {offsets = [0, 18], sizes = [1024, 1], strides = [1, 1]} : vector<1024x50xf32> to vector<1024x1xf32>
    %sub3A_259 = vector.broadcast %slice3A_258 : vector<1024x1xf32> to vector<1024x50xf32>
    %sub3A_260 = arith.subf %sub3A_259, %get3A_1 : vector<1024x50xf32>
    %add3A_261 = arith.constant 1.000000e+00 : f32
    %add3A_262 = vector.broadcast %add3A_261 : f32 to vector<1024x50xf32>
    %add3A_263 = arith.addf %sub3A_260, %add3A_262 : vector<1024x50xf32>
    %max3A_264 = arith.constant 0.000000e+00 : f32
    %max3A_265 = vector.broadcast %max3A_264 : f32 to vector<1024x50xf32>
    %max3A_266 = arith.maximumf %add3A_263, %max3A_265 : vector<1024x50xf32>
    %slice3A_267 = vector.extract_strided_slice %convert_element_type3A_7 {offsets = [0, 18], sizes = [1024, 1], strides = [1, 1]} : vector<1024x50xf32> to vector<1024x1xf32>
    %mul3A_268 = arith.mulf %max3A_266, %max3A_266 : vector<1024x50xf32>
    %mul3A_269 = vector.broadcast %slice3A_267 : vector<1024x1xf32> to vector<1024x50xf32>
    %mul3A_270 = arith.mulf %mul3A_269, %mul3A_268 : vector<1024x50xf32>
    %add3A_271 = arith.addf %add3A_257, %mul3A_270 : vector<1024x50xf32>
    %slice3A_272 = vector.extract_strided_slice %get3A_1 {offsets = [0, 19], sizes = [1024, 1], strides = [1, 1]} : vector<1024x50xf32> to vector<1024x1xf32>
    %sub3A_273 = vector.broadcast %slice3A_272 : vector<1024x1xf32> to vector<1024x50xf32>
    %sub3A_274 = arith.subf %sub3A_273, %get3A_1 : vector<1024x50xf32>
    %add3A_275 = arith.constant 1.000000e+00 : f32
    %add3A_276 = vector.broadcast %add3A_275 : f32 to vector<1024x50xf32>
    %add3A_277 = arith.addf %sub3A_274, %add3A_276 : vector<1024x50xf32>
    %max3A_278 = arith.constant 0.000000e+00 : f32
    %max3A_279 = vector.broadcast %max3A_278 : f32 to vector<1024x50xf32>
    %max3A_280 = arith.maximumf %add3A_277, %max3A_279 : vector<1024x50xf32>
    %slice3A_281 = vector.extract_strided_slice %convert_element_type3A_7 {offsets = [0, 19], sizes = [1024, 1], strides = [1, 1]} : vector<1024x50xf32> to vector<1024x1xf32>
    %mul3A_282 = arith.mulf %max3A_280, %max3A_280 : vector<1024x50xf32>
    %mul3A_283 = vector.broadcast %slice3A_281 : vector<1024x1xf32> to vector<1024x50xf32>
    %mul3A_284 = arith.mulf %mul3A_283, %mul3A_282 : vector<1024x50xf32>
    %add3A_285 = arith.addf %add3A_271, %mul3A_284 : vector<1024x50xf32>
    %slice3A_286 = vector.extract_strided_slice %get3A_1 {offsets = [0, 20], sizes = [1024, 1], strides = [1, 1]} : vector<1024x50xf32> to vector<1024x1xf32>
    %sub3A_287 = vector.broadcast %slice3A_286 : vector<1024x1xf32> to vector<1024x50xf32>
    %sub3A_288 = arith.subf %sub3A_287, %get3A_1 : vector<1024x50xf32>
    %add3A_289 = arith.constant 1.000000e+00 : f32
    %add3A_290 = vector.broadcast %add3A_289 : f32 to vector<1024x50xf32>
    %add3A_291 = arith.addf %sub3A_288, %add3A_290 : vector<1024x50xf32>
    %max3A_292 = arith.constant 0.000000e+00 : f32
    %max3A_293 = vector.broadcast %max3A_292 : f32 to vector<1024x50xf32>
    %max3A_294 = arith.maximumf %add3A_291, %max3A_293 : vector<1024x50xf32>
    %slice3A_295 = vector.extract_strided_slice %convert_element_type3A_7 {offsets = [0, 20], sizes = [1024, 1], strides = [1, 1]} : vector<1024x50xf32> to vector<1024x1xf32>
    %mul3A_296 = arith.mulf %max3A_294, %max3A_294 : vector<1024x50xf32>
    %mul3A_297 = vector.broadcast %slice3A_295 : vector<1024x1xf32> to vector<1024x50xf32>
    %mul3A_298 = arith.mulf %mul3A_297, %mul3A_296 : vector<1024x50xf32>
    %add3A_299 = arith.addf %add3A_285, %mul3A_298 : vector<1024x50xf32>
    %slice3A_300 = vector.extract_strided_slice %get3A_1 {offsets = [0, 21], sizes = [1024, 1], strides = [1, 1]} : vector<1024x50xf32> to vector<1024x1xf32>
    %sub3A_301 = vector.broadcast %slice3A_300 : vector<1024x1xf32> to vector<1024x50xf32>
    %sub3A_302 = arith.subf %sub3A_301, %get3A_1 : vector<1024x50xf32>
    %add3A_303 = arith.constant 1.000000e+00 : f32
    %add3A_304 = vector.broadcast %add3A_303 : f32 to vector<1024x50xf32>
    %add3A_305 = arith.addf %sub3A_302, %add3A_304 : vector<1024x50xf32>
    %max3A_306 = arith.constant 0.000000e+00 : f32
    %max3A_307 = vector.broadcast %max3A_306 : f32 to vector<1024x50xf32>
    %max3A_308 = arith.maximumf %add3A_305, %max3A_307 : vector<1024x50xf32>
    %slice3A_309 = vector.extract_strided_slice %convert_element_type3A_7 {offsets = [0, 21], sizes = [1024, 1], strides = [1, 1]} : vector<1024x50xf32> to vector<1024x1xf32>
    %mul3A_310 = arith.mulf %max3A_308, %max3A_308 : vector<1024x50xf32>
    %mul3A_311 = vector.broadcast %slice3A_309 : vector<1024x1xf32> to vector<1024x50xf32>
    %mul3A_312 = arith.mulf %mul3A_311, %mul3A_310 : vector<1024x50xf32>
    %add3A_313 = arith.addf %add3A_299, %mul3A_312 : vector<1024x50xf32>
    %slice3A_314 = vector.extract_strided_slice %get3A_1 {offsets = [0, 22], sizes = [1024, 1], strides = [1, 1]} : vector<1024x50xf32> to vector<1024x1xf32>
    %sub3A_315 = vector.broadcast %slice3A_314 : vector<1024x1xf32> to vector<1024x50xf32>
    %sub3A_316 = arith.subf %sub3A_315, %get3A_1 : vector<1024x50xf32>
    %add3A_317 = arith.constant 1.000000e+00 : f32
    %add3A_318 = vector.broadcast %add3A_317 : f32 to vector<1024x50xf32>
    %add3A_319 = arith.addf %sub3A_316, %add3A_318 : vector<1024x50xf32>
    %max3A_320 = arith.constant 0.000000e+00 : f32
    %max3A_321 = vector.broadcast %max3A_320 : f32 to vector<1024x50xf32>
    %max3A_322 = arith.maximumf %add3A_319, %max3A_321 : vector<1024x50xf32>
    %slice3A_323 = vector.extract_strided_slice %convert_element_type3A_7 {offsets = [0, 22], sizes = [1024, 1], strides = [1, 1]} : vector<1024x50xf32> to vector<1024x1xf32>
    %mul3A_324 = arith.mulf %max3A_322, %max3A_322 : vector<1024x50xf32>
    %mul3A_325 = vector.broadcast %slice3A_323 : vector<1024x1xf32> to vector<1024x50xf32>
    %mul3A_326 = arith.mulf %mul3A_325, %mul3A_324 : vector<1024x50xf32>
    %add3A_327 = arith.addf %add3A_313, %mul3A_326 : vector<1024x50xf32>
    %slice3A_328 = vector.extract_strided_slice %get3A_1 {offsets = [0, 23], sizes = [1024, 1], strides = [1, 1]} : vector<1024x50xf32> to vector<1024x1xf32>
    %sub3A_329 = vector.broadcast %slice3A_328 : vector<1024x1xf32> to vector<1024x50xf32>
    %sub3A_330 = arith.subf %sub3A_329, %get3A_1 : vector<1024x50xf32>
    %add3A_331 = arith.constant 1.000000e+00 : f32
    %add3A_332 = vector.broadcast %add3A_331 : f32 to vector<1024x50xf32>
    %add3A_333 = arith.addf %sub3A_330, %add3A_332 : vector<1024x50xf32>
    %max3A_334 = arith.constant 0.000000e+00 : f32
    %max3A_335 = vector.broadcast %max3A_334 : f32 to vector<1024x50xf32>
    %max3A_336 = arith.maximumf %add3A_333, %max3A_335 : vector<1024x50xf32>
    %slice3A_337 = vector.extract_strided_slice %convert_element_type3A_7 {offsets = [0, 23], sizes = [1024, 1], strides = [1, 1]} : vector<1024x50xf32> to vector<1024x1xf32>
    %mul3A_338 = arith.mulf %max3A_336, %max3A_336 : vector<1024x50xf32>
    %mul3A_339 = vector.broadcast %slice3A_337 : vector<1024x1xf32> to vector<1024x50xf32>
    %mul3A_340 = arith.mulf %mul3A_339, %mul3A_338 : vector<1024x50xf32>
    %add3A_341 = arith.addf %add3A_327, %mul3A_340 : vector<1024x50xf32>
    %slice3A_342 = vector.extract_strided_slice %get3A_1 {offsets = [0, 24], sizes = [1024, 1], strides = [1, 1]} : vector<1024x50xf32> to vector<1024x1xf32>
    %sub3A_343 = vector.broadcast %slice3A_342 : vector<1024x1xf32> to vector<1024x50xf32>
    %sub3A_344 = arith.subf %sub3A_343, %get3A_1 : vector<1024x50xf32>
    %add3A_345 = arith.constant 1.000000e+00 : f32
    %add3A_346 = vector.broadcast %add3A_345 : f32 to vector<1024x50xf32>
    %add3A_347 = arith.addf %sub3A_344, %add3A_346 : vector<1024x50xf32>
    %max3A_348 = arith.constant 0.000000e+00 : f32
    %max3A_349 = vector.broadcast %max3A_348 : f32 to vector<1024x50xf32>
    %max3A_350 = arith.maximumf %add3A_347, %max3A_349 : vector<1024x50xf32>
    %slice3A_351 = vector.extract_strided_slice %convert_element_type3A_7 {offsets = [0, 24], sizes = [1024, 1], strides = [1, 1]} : vector<1024x50xf32> to vector<1024x1xf32>
    %mul3A_352 = arith.mulf %max3A_350, %max3A_350 : vector<1024x50xf32>
    %mul3A_353 = vector.broadcast %slice3A_351 : vector<1024x1xf32> to vector<1024x50xf32>
    %mul3A_354 = arith.mulf %mul3A_353, %mul3A_352 : vector<1024x50xf32>
    %add3A_355 = arith.addf %add3A_341, %mul3A_354 : vector<1024x50xf32>
    %slice3A_356 = vector.extract_strided_slice %get3A_1 {offsets = [0, 25], sizes = [1024, 1], strides = [1, 1]} : vector<1024x50xf32> to vector<1024x1xf32>
    %sub3A_357 = vector.broadcast %slice3A_356 : vector<1024x1xf32> to vector<1024x50xf32>
    %sub3A_358 = arith.subf %sub3A_357, %get3A_1 : vector<1024x50xf32>
    %add3A_359 = arith.constant 1.000000e+00 : f32
    %add3A_360 = vector.broadcast %add3A_359 : f32 to vector<1024x50xf32>
    %add3A_361 = arith.addf %sub3A_358, %add3A_360 : vector<1024x50xf32>
    %max3A_362 = arith.constant 0.000000e+00 : f32
    %max3A_363 = vector.broadcast %max3A_362 : f32 to vector<1024x50xf32>
    %max3A_364 = arith.maximumf %add3A_361, %max3A_363 : vector<1024x50xf32>
    %slice3A_365 = vector.extract_strided_slice %convert_element_type3A_7 {offsets = [0, 25], sizes = [1024, 1], strides = [1, 1]} : vector<1024x50xf32> to vector<1024x1xf32>
    %mul3A_366 = arith.mulf %max3A_364, %max3A_364 : vector<1024x50xf32>
    %mul3A_367 = vector.broadcast %slice3A_365 : vector<1024x1xf32> to vector<1024x50xf32>
    %mul3A_368 = arith.mulf %mul3A_367, %mul3A_366 : vector<1024x50xf32>
    %add3A_369 = arith.addf %add3A_355, %mul3A_368 : vector<1024x50xf32>
    %slice3A_370 = vector.extract_strided_slice %get3A_1 {offsets = [0, 26], sizes = [1024, 1], strides = [1, 1]} : vector<1024x50xf32> to vector<1024x1xf32>
    %sub3A_371 = vector.broadcast %slice3A_370 : vector<1024x1xf32> to vector<1024x50xf32>
    %sub3A_372 = arith.subf %sub3A_371, %get3A_1 : vector<1024x50xf32>
    %add3A_373 = arith.constant 1.000000e+00 : f32
    %add3A_374 = vector.broadcast %add3A_373 : f32 to vector<1024x50xf32>
    %add3A_375 = arith.addf %sub3A_372, %add3A_374 : vector<1024x50xf32>
    %max3A_376 = arith.constant 0.000000e+00 : f32
    %max3A_377 = vector.broadcast %max3A_376 : f32 to vector<1024x50xf32>
    %max3A_378 = arith.maximumf %add3A_375, %max3A_377 : vector<1024x50xf32>
    %slice3A_379 = vector.extract_strided_slice %convert_element_type3A_7 {offsets = [0, 26], sizes = [1024, 1], strides = [1, 1]} : vector<1024x50xf32> to vector<1024x1xf32>
    %mul3A_380 = arith.mulf %max3A_378, %max3A_378 : vector<1024x50xf32>
    %mul3A_381 = vector.broadcast %slice3A_379 : vector<1024x1xf32> to vector<1024x50xf32>
    %mul3A_382 = arith.mulf %mul3A_381, %mul3A_380 : vector<1024x50xf32>
    %add3A_383 = arith.addf %add3A_369, %mul3A_382 : vector<1024x50xf32>
    %slice3A_384 = vector.extract_strided_slice %get3A_1 {offsets = [0, 27], sizes = [1024, 1], strides = [1, 1]} : vector<1024x50xf32> to vector<1024x1xf32>
    %sub3A_385 = vector.broadcast %slice3A_384 : vector<1024x1xf32> to vector<1024x50xf32>
    %sub3A_386 = arith.subf %sub3A_385, %get3A_1 : vector<1024x50xf32>
    %add3A_387 = arith.constant 1.000000e+00 : f32
    %add3A_388 = vector.broadcast %add3A_387 : f32 to vector<1024x50xf32>
    %add3A_389 = arith.addf %sub3A_386, %add3A_388 : vector<1024x50xf32>
    %max3A_390 = arith.constant 0.000000e+00 : f32
    %max3A_391 = vector.broadcast %max3A_390 : f32 to vector<1024x50xf32>
    %max3A_392 = arith.maximumf %add3A_389, %max3A_391 : vector<1024x50xf32>
    %slice3A_393 = vector.extract_strided_slice %convert_element_type3A_7 {offsets = [0, 27], sizes = [1024, 1], strides = [1, 1]} : vector<1024x50xf32> to vector<1024x1xf32>
    %mul3A_394 = arith.mulf %max3A_392, %max3A_392 : vector<1024x50xf32>
    %mul3A_395 = vector.broadcast %slice3A_393 : vector<1024x1xf32> to vector<1024x50xf32>
    %mul3A_396 = arith.mulf %mul3A_395, %mul3A_394 : vector<1024x50xf32>
    %add3A_397 = arith.addf %add3A_383, %mul3A_396 : vector<1024x50xf32>
    %slice3A_398 = vector.extract_strided_slice %get3A_1 {offsets = [0, 28], sizes = [1024, 1], strides = [1, 1]} : vector<1024x50xf32> to vector<1024x1xf32>
    %sub3A_399 = vector.broadcast %slice3A_398 : vector<1024x1xf32> to vector<1024x50xf32>
    %sub3A_400 = arith.subf %sub3A_399, %get3A_1 : vector<1024x50xf32>
    %add3A_401 = arith.constant 1.000000e+00 : f32
    %add3A_402 = vector.broadcast %add3A_401 : f32 to vector<1024x50xf32>
    %add3A_403 = arith.addf %sub3A_400, %add3A_402 : vector<1024x50xf32>
    %max3A_404 = arith.constant 0.000000e+00 : f32
    %max3A_405 = vector.broadcast %max3A_404 : f32 to vector<1024x50xf32>
    %max3A_406 = arith.maximumf %add3A_403, %max3A_405 : vector<1024x50xf32>
    %slice3A_407 = vector.extract_strided_slice %convert_element_type3A_7 {offsets = [0, 28], sizes = [1024, 1], strides = [1, 1]} : vector<1024x50xf32> to vector<1024x1xf32>
    %mul3A_408 = arith.mulf %max3A_406, %max3A_406 : vector<1024x50xf32>
    %mul3A_409 = vector.broadcast %slice3A_407 : vector<1024x1xf32> to vector<1024x50xf32>
    %mul3A_410 = arith.mulf %mul3A_409, %mul3A_408 : vector<1024x50xf32>
    %add3A_411 = arith.addf %add3A_397, %mul3A_410 : vector<1024x50xf32>
    %slice3A_412 = vector.extract_strided_slice %get3A_1 {offsets = [0, 29], sizes = [1024, 1], strides = [1, 1]} : vector<1024x50xf32> to vector<1024x1xf32>
    %sub3A_413 = vector.broadcast %slice3A_412 : vector<1024x1xf32> to vector<1024x50xf32>
    %sub3A_414 = arith.subf %sub3A_413, %get3A_1 : vector<1024x50xf32>
    %add3A_415 = arith.constant 1.000000e+00 : f32
    %add3A_416 = vector.broadcast %add3A_415 : f32 to vector<1024x50xf32>
    %add3A_417 = arith.addf %sub3A_414, %add3A_416 : vector<1024x50xf32>
    %max3A_418 = arith.constant 0.000000e+00 : f32
    %max3A_419 = vector.broadcast %max3A_418 : f32 to vector<1024x50xf32>
    %max3A_420 = arith.maximumf %add3A_417, %max3A_419 : vector<1024x50xf32>
    %slice3A_421 = vector.extract_strided_slice %convert_element_type3A_7 {offsets = [0, 29], sizes = [1024, 1], strides = [1, 1]} : vector<1024x50xf32> to vector<1024x1xf32>
    %mul3A_422 = arith.mulf %max3A_420, %max3A_420 : vector<1024x50xf32>
    %mul3A_423 = vector.broadcast %slice3A_421 : vector<1024x1xf32> to vector<1024x50xf32>
    %mul3A_424 = arith.mulf %mul3A_423, %mul3A_422 : vector<1024x50xf32>
    %add3A_425 = arith.addf %add3A_411, %mul3A_424 : vector<1024x50xf32>
    %slice3A_426 = vector.extract_strided_slice %get3A_1 {offsets = [0, 30], sizes = [1024, 1], strides = [1, 1]} : vector<1024x50xf32> to vector<1024x1xf32>
    %sub3A_427 = vector.broadcast %slice3A_426 : vector<1024x1xf32> to vector<1024x50xf32>
    %sub3A_428 = arith.subf %sub3A_427, %get3A_1 : vector<1024x50xf32>
    %add3A_429 = arith.constant 1.000000e+00 : f32
    %add3A_430 = vector.broadcast %add3A_429 : f32 to vector<1024x50xf32>
    %add3A_431 = arith.addf %sub3A_428, %add3A_430 : vector<1024x50xf32>
    %max3A_432 = arith.constant 0.000000e+00 : f32
    %max3A_433 = vector.broadcast %max3A_432 : f32 to vector<1024x50xf32>
    %max3A_434 = arith.maximumf %add3A_431, %max3A_433 : vector<1024x50xf32>
    %slice3A_435 = vector.extract_strided_slice %convert_element_type3A_7 {offsets = [0, 30], sizes = [1024, 1], strides = [1, 1]} : vector<1024x50xf32> to vector<1024x1xf32>
    %mul3A_436 = arith.mulf %max3A_434, %max3A_434 : vector<1024x50xf32>
    %mul3A_437 = vector.broadcast %slice3A_435 : vector<1024x1xf32> to vector<1024x50xf32>
    %mul3A_438 = arith.mulf %mul3A_437, %mul3A_436 : vector<1024x50xf32>
    %add3A_439 = arith.addf %add3A_425, %mul3A_438 : vector<1024x50xf32>
    %slice3A_440 = vector.extract_strided_slice %get3A_1 {offsets = [0, 31], sizes = [1024, 1], strides = [1, 1]} : vector<1024x50xf32> to vector<1024x1xf32>
    %sub3A_441 = vector.broadcast %slice3A_440 : vector<1024x1xf32> to vector<1024x50xf32>
    %sub3A_442 = arith.subf %sub3A_441, %get3A_1 : vector<1024x50xf32>
    %add3A_443 = arith.constant 1.000000e+00 : f32
    %add3A_444 = vector.broadcast %add3A_443 : f32 to vector<1024x50xf32>
    %add3A_445 = arith.addf %sub3A_442, %add3A_444 : vector<1024x50xf32>
    %max3A_446 = arith.constant 0.000000e+00 : f32
    %max3A_447 = vector.broadcast %max3A_446 : f32 to vector<1024x50xf32>
    %max3A_448 = arith.maximumf %add3A_445, %max3A_447 : vector<1024x50xf32>
    %slice3A_449 = vector.extract_strided_slice %convert_element_type3A_7 {offsets = [0, 31], sizes = [1024, 1], strides = [1, 1]} : vector<1024x50xf32> to vector<1024x1xf32>
    %mul3A_450 = arith.mulf %max3A_448, %max3A_448 : vector<1024x50xf32>
    %mul3A_451 = vector.broadcast %slice3A_449 : vector<1024x1xf32> to vector<1024x50xf32>
    %mul3A_452 = arith.mulf %mul3A_451, %mul3A_450 : vector<1024x50xf32>
    %add3A_453 = arith.addf %add3A_439, %mul3A_452 : vector<1024x50xf32>
    %slice3A_454 = vector.extract_strided_slice %get3A_1 {offsets = [0, 32], sizes = [1024, 1], strides = [1, 1]} : vector<1024x50xf32> to vector<1024x1xf32>
    %sub3A_455 = vector.broadcast %slice3A_454 : vector<1024x1xf32> to vector<1024x50xf32>
    %sub3A_456 = arith.subf %sub3A_455, %get3A_1 : vector<1024x50xf32>
    %add3A_457 = arith.constant 1.000000e+00 : f32
    %add3A_458 = vector.broadcast %add3A_457 : f32 to vector<1024x50xf32>
    %add3A_459 = arith.addf %sub3A_456, %add3A_458 : vector<1024x50xf32>
    %max3A_460 = arith.constant 0.000000e+00 : f32
    %max3A_461 = vector.broadcast %max3A_460 : f32 to vector<1024x50xf32>
    %max3A_462 = arith.maximumf %add3A_459, %max3A_461 : vector<1024x50xf32>
    %slice3A_463 = vector.extract_strided_slice %convert_element_type3A_7 {offsets = [0, 32], sizes = [1024, 1], strides = [1, 1]} : vector<1024x50xf32> to vector<1024x1xf32>
    %mul3A_464 = arith.mulf %max3A_462, %max3A_462 : vector<1024x50xf32>
    %mul3A_465 = vector.broadcast %slice3A_463 : vector<1024x1xf32> to vector<1024x50xf32>
    %mul3A_466 = arith.mulf %mul3A_465, %mul3A_464 : vector<1024x50xf32>
    %add3A_467 = arith.addf %add3A_453, %mul3A_466 : vector<1024x50xf32>
    %slice3A_468 = vector.extract_strided_slice %get3A_1 {offsets = [0, 33], sizes = [1024, 1], strides = [1, 1]} : vector<1024x50xf32> to vector<1024x1xf32>
    %sub3A_469 = vector.broadcast %slice3A_468 : vector<1024x1xf32> to vector<1024x50xf32>
    %sub3A_470 = arith.subf %sub3A_469, %get3A_1 : vector<1024x50xf32>
    %add3A_471 = arith.constant 1.000000e+00 : f32
    %add3A_472 = vector.broadcast %add3A_471 : f32 to vector<1024x50xf32>
    %add3A_473 = arith.addf %sub3A_470, %add3A_472 : vector<1024x50xf32>
    %max3A_474 = arith.constant 0.000000e+00 : f32
    %max3A_475 = vector.broadcast %max3A_474 : f32 to vector<1024x50xf32>
    %max3A_476 = arith.maximumf %add3A_473, %max3A_475 : vector<1024x50xf32>
    %slice3A_477 = vector.extract_strided_slice %convert_element_type3A_7 {offsets = [0, 33], sizes = [1024, 1], strides = [1, 1]} : vector<1024x50xf32> to vector<1024x1xf32>
    %mul3A_478 = arith.mulf %max3A_476, %max3A_476 : vector<1024x50xf32>
    %mul3A_479 = vector.broadcast %slice3A_477 : vector<1024x1xf32> to vector<1024x50xf32>
    %mul3A_480 = arith.mulf %mul3A_479, %mul3A_478 : vector<1024x50xf32>
    %add3A_481 = arith.addf %add3A_467, %mul3A_480 : vector<1024x50xf32>
    %slice3A_482 = vector.extract_strided_slice %get3A_1 {offsets = [0, 34], sizes = [1024, 1], strides = [1, 1]} : vector<1024x50xf32> to vector<1024x1xf32>
    %sub3A_483 = vector.broadcast %slice3A_482 : vector<1024x1xf32> to vector<1024x50xf32>
    %sub3A_484 = arith.subf %sub3A_483, %get3A_1 : vector<1024x50xf32>
    %add3A_485 = arith.constant 1.000000e+00 : f32
    %add3A_486 = vector.broadcast %add3A_485 : f32 to vector<1024x50xf32>
    %add3A_487 = arith.addf %sub3A_484, %add3A_486 : vector<1024x50xf32>
    %max3A_488 = arith.constant 0.000000e+00 : f32
    %max3A_489 = vector.broadcast %max3A_488 : f32 to vector<1024x50xf32>
    %max3A_490 = arith.maximumf %add3A_487, %max3A_489 : vector<1024x50xf32>
    %slice3A_491 = vector.extract_strided_slice %convert_element_type3A_7 {offsets = [0, 34], sizes = [1024, 1], strides = [1, 1]} : vector<1024x50xf32> to vector<1024x1xf32>
    %mul3A_492 = arith.mulf %max3A_490, %max3A_490 : vector<1024x50xf32>
    %mul3A_493 = vector.broadcast %slice3A_491 : vector<1024x1xf32> to vector<1024x50xf32>
    %mul3A_494 = arith.mulf %mul3A_493, %mul3A_492 : vector<1024x50xf32>
    %add3A_495 = arith.addf %add3A_481, %mul3A_494 : vector<1024x50xf32>
    %slice3A_496 = vector.extract_strided_slice %get3A_1 {offsets = [0, 35], sizes = [1024, 1], strides = [1, 1]} : vector<1024x50xf32> to vector<1024x1xf32>
    %sub3A_497 = vector.broadcast %slice3A_496 : vector<1024x1xf32> to vector<1024x50xf32>
    %sub3A_498 = arith.subf %sub3A_497, %get3A_1 : vector<1024x50xf32>
    %add3A_499 = arith.constant 1.000000e+00 : f32
    %add3A_500 = vector.broadcast %add3A_499 : f32 to vector<1024x50xf32>
    %add3A_501 = arith.addf %sub3A_498, %add3A_500 : vector<1024x50xf32>
    %max3A_502 = arith.constant 0.000000e+00 : f32
    %max3A_503 = vector.broadcast %max3A_502 : f32 to vector<1024x50xf32>
    %max3A_504 = arith.maximumf %add3A_501, %max3A_503 : vector<1024x50xf32>
    %slice3A_505 = vector.extract_strided_slice %convert_element_type3A_7 {offsets = [0, 35], sizes = [1024, 1], strides = [1, 1]} : vector<1024x50xf32> to vector<1024x1xf32>
    %mul3A_506 = arith.mulf %max3A_504, %max3A_504 : vector<1024x50xf32>
    %mul3A_507 = vector.broadcast %slice3A_505 : vector<1024x1xf32> to vector<1024x50xf32>
    %mul3A_508 = arith.mulf %mul3A_507, %mul3A_506 : vector<1024x50xf32>
    %add3A_509 = arith.addf %add3A_495, %mul3A_508 : vector<1024x50xf32>
    %slice3A_510 = vector.extract_strided_slice %get3A_1 {offsets = [0, 36], sizes = [1024, 1], strides = [1, 1]} : vector<1024x50xf32> to vector<1024x1xf32>
    %sub3A_511 = vector.broadcast %slice3A_510 : vector<1024x1xf32> to vector<1024x50xf32>
    %sub3A_512 = arith.subf %sub3A_511, %get3A_1 : vector<1024x50xf32>
    %add3A_513 = arith.constant 1.000000e+00 : f32
    %add3A_514 = vector.broadcast %add3A_513 : f32 to vector<1024x50xf32>
    %add3A_515 = arith.addf %sub3A_512, %add3A_514 : vector<1024x50xf32>
    %max3A_516 = arith.constant 0.000000e+00 : f32
    %max3A_517 = vector.broadcast %max3A_516 : f32 to vector<1024x50xf32>
    %max3A_518 = arith.maximumf %add3A_515, %max3A_517 : vector<1024x50xf32>
    %slice3A_519 = vector.extract_strided_slice %convert_element_type3A_7 {offsets = [0, 36], sizes = [1024, 1], strides = [1, 1]} : vector<1024x50xf32> to vector<1024x1xf32>
    %mul3A_520 = arith.mulf %max3A_518, %max3A_518 : vector<1024x50xf32>
    %mul3A_521 = vector.broadcast %slice3A_519 : vector<1024x1xf32> to vector<1024x50xf32>
    %mul3A_522 = arith.mulf %mul3A_521, %mul3A_520 : vector<1024x50xf32>
    %add3A_523 = arith.addf %add3A_509, %mul3A_522 : vector<1024x50xf32>
    %slice3A_524 = vector.extract_strided_slice %get3A_1 {offsets = [0, 37], sizes = [1024, 1], strides = [1, 1]} : vector<1024x50xf32> to vector<1024x1xf32>
    %sub3A_525 = vector.broadcast %slice3A_524 : vector<1024x1xf32> to vector<1024x50xf32>
    %sub3A_526 = arith.subf %sub3A_525, %get3A_1 : vector<1024x50xf32>
    %add3A_527 = arith.constant 1.000000e+00 : f32
    %add3A_528 = vector.broadcast %add3A_527 : f32 to vector<1024x50xf32>
    %add3A_529 = arith.addf %sub3A_526, %add3A_528 : vector<1024x50xf32>
    %max3A_530 = arith.constant 0.000000e+00 : f32
    %max3A_531 = vector.broadcast %max3A_530 : f32 to vector<1024x50xf32>
    %max3A_532 = arith.maximumf %add3A_529, %max3A_531 : vector<1024x50xf32>
    %slice3A_533 = vector.extract_strided_slice %convert_element_type3A_7 {offsets = [0, 37], sizes = [1024, 1], strides = [1, 1]} : vector<1024x50xf32> to vector<1024x1xf32>
    %mul3A_534 = arith.mulf %max3A_532, %max3A_532 : vector<1024x50xf32>
    %mul3A_535 = vector.broadcast %slice3A_533 : vector<1024x1xf32> to vector<1024x50xf32>
    %mul3A_536 = arith.mulf %mul3A_535, %mul3A_534 : vector<1024x50xf32>
    %add3A_537 = arith.addf %add3A_523, %mul3A_536 : vector<1024x50xf32>
    %slice3A_538 = vector.extract_strided_slice %get3A_1 {offsets = [0, 38], sizes = [1024, 1], strides = [1, 1]} : vector<1024x50xf32> to vector<1024x1xf32>
    %sub3A_539 = vector.broadcast %slice3A_538 : vector<1024x1xf32> to vector<1024x50xf32>
    %sub3A_540 = arith.subf %sub3A_539, %get3A_1 : vector<1024x50xf32>
    %add3A_541 = arith.constant 1.000000e+00 : f32
    %add3A_542 = vector.broadcast %add3A_541 : f32 to vector<1024x50xf32>
    %add3A_543 = arith.addf %sub3A_540, %add3A_542 : vector<1024x50xf32>
    %max3A_544 = arith.constant 0.000000e+00 : f32
    %max3A_545 = vector.broadcast %max3A_544 : f32 to vector<1024x50xf32>
    %max3A_546 = arith.maximumf %add3A_543, %max3A_545 : vector<1024x50xf32>
    %slice3A_547 = vector.extract_strided_slice %convert_element_type3A_7 {offsets = [0, 38], sizes = [1024, 1], strides = [1, 1]} : vector<1024x50xf32> to vector<1024x1xf32>
    %mul3A_548 = arith.mulf %max3A_546, %max3A_546 : vector<1024x50xf32>
    %mul3A_549 = vector.broadcast %slice3A_547 : vector<1024x1xf32> to vector<1024x50xf32>
    %mul3A_550 = arith.mulf %mul3A_549, %mul3A_548 : vector<1024x50xf32>
    %add3A_551 = arith.addf %add3A_537, %mul3A_550 : vector<1024x50xf32>
    %slice3A_552 = vector.extract_strided_slice %get3A_1 {offsets = [0, 39], sizes = [1024, 1], strides = [1, 1]} : vector<1024x50xf32> to vector<1024x1xf32>
    %sub3A_553 = vector.broadcast %slice3A_552 : vector<1024x1xf32> to vector<1024x50xf32>
    %sub3A_554 = arith.subf %sub3A_553, %get3A_1 : vector<1024x50xf32>
    %add3A_555 = arith.constant 1.000000e+00 : f32
    %add3A_556 = vector.broadcast %add3A_555 : f32 to vector<1024x50xf32>
    %add3A_557 = arith.addf %sub3A_554, %add3A_556 : vector<1024x50xf32>
    %max3A_558 = arith.constant 0.000000e+00 : f32
    %max3A_559 = vector.broadcast %max3A_558 : f32 to vector<1024x50xf32>
    %max3A_560 = arith.maximumf %add3A_557, %max3A_559 : vector<1024x50xf32>
    %slice3A_561 = vector.extract_strided_slice %convert_element_type3A_7 {offsets = [0, 39], sizes = [1024, 1], strides = [1, 1]} : vector<1024x50xf32> to vector<1024x1xf32>
    %mul3A_562 = arith.mulf %max3A_560, %max3A_560 : vector<1024x50xf32>
    %mul3A_563 = vector.broadcast %slice3A_561 : vector<1024x1xf32> to vector<1024x50xf32>
    %mul3A_564 = arith.mulf %mul3A_563, %mul3A_562 : vector<1024x50xf32>
    %add3A_565 = arith.addf %add3A_551, %mul3A_564 : vector<1024x50xf32>
    %slice3A_566 = vector.extract_strided_slice %get3A_1 {offsets = [0, 40], sizes = [1024, 1], strides = [1, 1]} : vector<1024x50xf32> to vector<1024x1xf32>
    %sub3A_567 = vector.broadcast %slice3A_566 : vector<1024x1xf32> to vector<1024x50xf32>
    %sub3A_568 = arith.subf %sub3A_567, %get3A_1 : vector<1024x50xf32>
    %add3A_569 = arith.constant 1.000000e+00 : f32
    %add3A_570 = vector.broadcast %add3A_569 : f32 to vector<1024x50xf32>
    %add3A_571 = arith.addf %sub3A_568, %add3A_570 : vector<1024x50xf32>
    %max3A_572 = arith.constant 0.000000e+00 : f32
    %max3A_573 = vector.broadcast %max3A_572 : f32 to vector<1024x50xf32>
    %max3A_574 = arith.maximumf %add3A_571, %max3A_573 : vector<1024x50xf32>
    %slice3A_575 = vector.extract_strided_slice %convert_element_type3A_7 {offsets = [0, 40], sizes = [1024, 1], strides = [1, 1]} : vector<1024x50xf32> to vector<1024x1xf32>
    %mul3A_576 = arith.mulf %max3A_574, %max3A_574 : vector<1024x50xf32>
    %mul3A_577 = vector.broadcast %slice3A_575 : vector<1024x1xf32> to vector<1024x50xf32>
    %mul3A_578 = arith.mulf %mul3A_577, %mul3A_576 : vector<1024x50xf32>
    %add3A_579 = arith.addf %add3A_565, %mul3A_578 : vector<1024x50xf32>
    %slice3A_580 = vector.extract_strided_slice %get3A_1 {offsets = [0, 41], sizes = [1024, 1], strides = [1, 1]} : vector<1024x50xf32> to vector<1024x1xf32>
    %sub3A_581 = vector.broadcast %slice3A_580 : vector<1024x1xf32> to vector<1024x50xf32>
    %sub3A_582 = arith.subf %sub3A_581, %get3A_1 : vector<1024x50xf32>
    %add3A_583 = arith.constant 1.000000e+00 : f32
    %add3A_584 = vector.broadcast %add3A_583 : f32 to vector<1024x50xf32>
    %add3A_585 = arith.addf %sub3A_582, %add3A_584 : vector<1024x50xf32>
    %max3A_586 = arith.constant 0.000000e+00 : f32
    %max3A_587 = vector.broadcast %max3A_586 : f32 to vector<1024x50xf32>
    %max3A_588 = arith.maximumf %add3A_585, %max3A_587 : vector<1024x50xf32>
    %slice3A_589 = vector.extract_strided_slice %convert_element_type3A_7 {offsets = [0, 41], sizes = [1024, 1], strides = [1, 1]} : vector<1024x50xf32> to vector<1024x1xf32>
    %mul3A_590 = arith.mulf %max3A_588, %max3A_588 : vector<1024x50xf32>
    %mul3A_591 = vector.broadcast %slice3A_589 : vector<1024x1xf32> to vector<1024x50xf32>
    %mul3A_592 = arith.mulf %mul3A_591, %mul3A_590 : vector<1024x50xf32>
    %add3A_593 = arith.addf %add3A_579, %mul3A_592 : vector<1024x50xf32>
    %slice3A_594 = vector.extract_strided_slice %get3A_1 {offsets = [0, 42], sizes = [1024, 1], strides = [1, 1]} : vector<1024x50xf32> to vector<1024x1xf32>
    %sub3A_595 = vector.broadcast %slice3A_594 : vector<1024x1xf32> to vector<1024x50xf32>
    %sub3A_596 = arith.subf %sub3A_595, %get3A_1 : vector<1024x50xf32>
    %add3A_597 = arith.constant 1.000000e+00 : f32
    %add3A_598 = vector.broadcast %add3A_597 : f32 to vector<1024x50xf32>
    %add3A_599 = arith.addf %sub3A_596, %add3A_598 : vector<1024x50xf32>
    %max3A_600 = arith.constant 0.000000e+00 : f32
    %max3A_601 = vector.broadcast %max3A_600 : f32 to vector<1024x50xf32>
    %max3A_602 = arith.maximumf %add3A_599, %max3A_601 : vector<1024x50xf32>
    %slice3A_603 = vector.extract_strided_slice %convert_element_type3A_7 {offsets = [0, 42], sizes = [1024, 1], strides = [1, 1]} : vector<1024x50xf32> to vector<1024x1xf32>
    %mul3A_604 = arith.mulf %max3A_602, %max3A_602 : vector<1024x50xf32>
    %mul3A_605 = vector.broadcast %slice3A_603 : vector<1024x1xf32> to vector<1024x50xf32>
    %mul3A_606 = arith.mulf %mul3A_605, %mul3A_604 : vector<1024x50xf32>
    %add3A_607 = arith.addf %add3A_593, %mul3A_606 : vector<1024x50xf32>
    %slice3A_608 = vector.extract_strided_slice %get3A_1 {offsets = [0, 43], sizes = [1024, 1], strides = [1, 1]} : vector<1024x50xf32> to vector<1024x1xf32>
    %sub3A_609 = vector.broadcast %slice3A_608 : vector<1024x1xf32> to vector<1024x50xf32>
    %sub3A_610 = arith.subf %sub3A_609, %get3A_1 : vector<1024x50xf32>
    %add3A_611 = arith.constant 1.000000e+00 : f32
    %add3A_612 = vector.broadcast %add3A_611 : f32 to vector<1024x50xf32>
    %add3A_613 = arith.addf %sub3A_610, %add3A_612 : vector<1024x50xf32>
    %max3A_614 = arith.constant 0.000000e+00 : f32
    %max3A_615 = vector.broadcast %max3A_614 : f32 to vector<1024x50xf32>
    %max3A_616 = arith.maximumf %add3A_613, %max3A_615 : vector<1024x50xf32>
    %slice3A_617 = vector.extract_strided_slice %convert_element_type3A_7 {offsets = [0, 43], sizes = [1024, 1], strides = [1, 1]} : vector<1024x50xf32> to vector<1024x1xf32>
    %mul3A_618 = arith.mulf %max3A_616, %max3A_616 : vector<1024x50xf32>
    %mul3A_619 = vector.broadcast %slice3A_617 : vector<1024x1xf32> to vector<1024x50xf32>
    %mul3A_620 = arith.mulf %mul3A_619, %mul3A_618 : vector<1024x50xf32>
    %add3A_621 = arith.addf %add3A_607, %mul3A_620 : vector<1024x50xf32>
    %slice3A_622 = vector.extract_strided_slice %get3A_1 {offsets = [0, 44], sizes = [1024, 1], strides = [1, 1]} : vector<1024x50xf32> to vector<1024x1xf32>
    %sub3A_623 = vector.broadcast %slice3A_622 : vector<1024x1xf32> to vector<1024x50xf32>
    %sub3A_624 = arith.subf %sub3A_623, %get3A_1 : vector<1024x50xf32>
    %add3A_625 = arith.constant 1.000000e+00 : f32
    %add3A_626 = vector.broadcast %add3A_625 : f32 to vector<1024x50xf32>
    %add3A_627 = arith.addf %sub3A_624, %add3A_626 : vector<1024x50xf32>
    %max3A_628 = arith.constant 0.000000e+00 : f32
    %max3A_629 = vector.broadcast %max3A_628 : f32 to vector<1024x50xf32>
    %max3A_630 = arith.maximumf %add3A_627, %max3A_629 : vector<1024x50xf32>
    %slice3A_631 = vector.extract_strided_slice %convert_element_type3A_7 {offsets = [0, 44], sizes = [1024, 1], strides = [1, 1]} : vector<1024x50xf32> to vector<1024x1xf32>
    %mul3A_632 = arith.mulf %max3A_630, %max3A_630 : vector<1024x50xf32>
    %mul3A_633 = vector.broadcast %slice3A_631 : vector<1024x1xf32> to vector<1024x50xf32>
    %mul3A_634 = arith.mulf %mul3A_633, %mul3A_632 : vector<1024x50xf32>
    %add3A_635 = arith.addf %add3A_621, %mul3A_634 : vector<1024x50xf32>
    %slice3A_636 = vector.extract_strided_slice %get3A_1 {offsets = [0, 45], sizes = [1024, 1], strides = [1, 1]} : vector<1024x50xf32> to vector<1024x1xf32>
    %sub3A_637 = vector.broadcast %slice3A_636 : vector<1024x1xf32> to vector<1024x50xf32>
    %sub3A_638 = arith.subf %sub3A_637, %get3A_1 : vector<1024x50xf32>
    %add3A_639 = arith.constant 1.000000e+00 : f32
    %add3A_640 = vector.broadcast %add3A_639 : f32 to vector<1024x50xf32>
    %add3A_641 = arith.addf %sub3A_638, %add3A_640 : vector<1024x50xf32>
    %max3A_642 = arith.constant 0.000000e+00 : f32
    %max3A_643 = vector.broadcast %max3A_642 : f32 to vector<1024x50xf32>
    %max3A_644 = arith.maximumf %add3A_641, %max3A_643 : vector<1024x50xf32>
    %slice3A_645 = vector.extract_strided_slice %convert_element_type3A_7 {offsets = [0, 45], sizes = [1024, 1], strides = [1, 1]} : vector<1024x50xf32> to vector<1024x1xf32>
    %mul3A_646 = arith.mulf %max3A_644, %max3A_644 : vector<1024x50xf32>
    %mul3A_647 = vector.broadcast %slice3A_645 : vector<1024x1xf32> to vector<1024x50xf32>
    %mul3A_648 = arith.mulf %mul3A_647, %mul3A_646 : vector<1024x50xf32>
    %add3A_649 = arith.addf %add3A_635, %mul3A_648 : vector<1024x50xf32>
    %slice3A_650 = vector.extract_strided_slice %get3A_1 {offsets = [0, 46], sizes = [1024, 1], strides = [1, 1]} : vector<1024x50xf32> to vector<1024x1xf32>
    %sub3A_651 = vector.broadcast %slice3A_650 : vector<1024x1xf32> to vector<1024x50xf32>
    %sub3A_652 = arith.subf %sub3A_651, %get3A_1 : vector<1024x50xf32>
    %add3A_653 = arith.constant 1.000000e+00 : f32
    %add3A_654 = vector.broadcast %add3A_653 : f32 to vector<1024x50xf32>
    %add3A_655 = arith.addf %sub3A_652, %add3A_654 : vector<1024x50xf32>
    %max3A_656 = arith.constant 0.000000e+00 : f32
    %max3A_657 = vector.broadcast %max3A_656 : f32 to vector<1024x50xf32>
    %max3A_658 = arith.maximumf %add3A_655, %max3A_657 : vector<1024x50xf32>
    %slice3A_659 = vector.extract_strided_slice %convert_element_type3A_7 {offsets = [0, 46], sizes = [1024, 1], strides = [1, 1]} : vector<1024x50xf32> to vector<1024x1xf32>
    %mul3A_660 = arith.mulf %max3A_658, %max3A_658 : vector<1024x50xf32>
    %mul3A_661 = vector.broadcast %slice3A_659 : vector<1024x1xf32> to vector<1024x50xf32>
    %mul3A_662 = arith.mulf %mul3A_661, %mul3A_660 : vector<1024x50xf32>
    %add3A_663 = arith.addf %add3A_649, %mul3A_662 : vector<1024x50xf32>
    %slice3A_664 = vector.extract_strided_slice %get3A_1 {offsets = [0, 47], sizes = [1024, 1], strides = [1, 1]} : vector<1024x50xf32> to vector<1024x1xf32>
    %sub3A_665 = vector.broadcast %slice3A_664 : vector<1024x1xf32> to vector<1024x50xf32>
    %sub3A_666 = arith.subf %sub3A_665, %get3A_1 : vector<1024x50xf32>
    %add3A_667 = arith.constant 1.000000e+00 : f32
    %add3A_668 = vector.broadcast %add3A_667 : f32 to vector<1024x50xf32>
    %add3A_669 = arith.addf %sub3A_666, %add3A_668 : vector<1024x50xf32>
    %max3A_670 = arith.constant 0.000000e+00 : f32
    %max3A_671 = vector.broadcast %max3A_670 : f32 to vector<1024x50xf32>
    %max3A_672 = arith.maximumf %add3A_669, %max3A_671 : vector<1024x50xf32>
    %slice3A_673 = vector.extract_strided_slice %convert_element_type3A_7 {offsets = [0, 47], sizes = [1024, 1], strides = [1, 1]} : vector<1024x50xf32> to vector<1024x1xf32>
    %mul3A_674 = arith.mulf %max3A_672, %max3A_672 : vector<1024x50xf32>
    %mul3A_675 = vector.broadcast %slice3A_673 : vector<1024x1xf32> to vector<1024x50xf32>
    %mul3A_676 = arith.mulf %mul3A_675, %mul3A_674 : vector<1024x50xf32>
    %add3A_677 = arith.addf %add3A_663, %mul3A_676 : vector<1024x50xf32>
    %slice3A_678 = vector.extract_strided_slice %get3A_1 {offsets = [0, 48], sizes = [1024, 1], strides = [1, 1]} : vector<1024x50xf32> to vector<1024x1xf32>
    %sub3A_679 = vector.broadcast %slice3A_678 : vector<1024x1xf32> to vector<1024x50xf32>
    %sub3A_680 = arith.subf %sub3A_679, %get3A_1 : vector<1024x50xf32>
    %add3A_681 = arith.constant 1.000000e+00 : f32
    %add3A_682 = vector.broadcast %add3A_681 : f32 to vector<1024x50xf32>
    %add3A_683 = arith.addf %sub3A_680, %add3A_682 : vector<1024x50xf32>
    %max3A_684 = arith.constant 0.000000e+00 : f32
    %max3A_685 = vector.broadcast %max3A_684 : f32 to vector<1024x50xf32>
    %max3A_686 = arith.maximumf %add3A_683, %max3A_685 : vector<1024x50xf32>
    %slice3A_687 = vector.extract_strided_slice %convert_element_type3A_7 {offsets = [0, 48], sizes = [1024, 1], strides = [1, 1]} : vector<1024x50xf32> to vector<1024x1xf32>
    %mul3A_688 = arith.mulf %max3A_686, %max3A_686 : vector<1024x50xf32>
    %mul3A_689 = vector.broadcast %slice3A_687 : vector<1024x1xf32> to vector<1024x50xf32>
    %mul3A_690 = arith.mulf %mul3A_689, %mul3A_688 : vector<1024x50xf32>
    %add3A_691 = arith.addf %add3A_677, %mul3A_690 : vector<1024x50xf32>
    %slice3A_692 = vector.extract_strided_slice %get3A_1 {offsets = [0, 49], sizes = [1024, 1], strides = [1, 1]} : vector<1024x50xf32> to vector<1024x1xf32>
    %sub3A_693 = vector.broadcast %slice3A_692 : vector<1024x1xf32> to vector<1024x50xf32>
    %sub3A_694 = arith.subf %sub3A_693, %get3A_1 : vector<1024x50xf32>
    %add3A_695 = arith.constant 1.000000e+00 : f32
    %add3A_696 = vector.broadcast %add3A_695 : f32 to vector<1024x50xf32>
    %add3A_697 = arith.addf %sub3A_694, %add3A_696 : vector<1024x50xf32>
    %max3A_698 = arith.constant 0.000000e+00 : f32
    %max3A_699 = vector.broadcast %max3A_698 : f32 to vector<1024x50xf32>
    %max3A_700 = arith.maximumf %add3A_697, %max3A_699 : vector<1024x50xf32>
    %slice3A_701 = vector.extract_strided_slice %convert_element_type3A_7 {offsets = [0, 49], sizes = [1024, 1], strides = [1, 1]} : vector<1024x50xf32> to vector<1024x1xf32>
    %mul3A_702 = arith.mulf %max3A_700, %max3A_700 : vector<1024x50xf32>
    %mul3A_703 = vector.broadcast %slice3A_701 : vector<1024x1xf32> to vector<1024x50xf32>
    %mul3A_704 = arith.mulf %mul3A_703, %mul3A_702 : vector<1024x50xf32>
    %add3A_705 = arith.addf %add3A_691, %mul3A_704 : vector<1024x50xf32>
    %mul3A_706 = arith.mulf %add3A_705, %convert_element_type3A_7 : vector<1024x50xf32>
    %div3A = vector.broadcast %broadcast_in_dim3A : vector<1024x1xf32> to vector<1024x50xf32>
    %div3A_707 = arith.divf %mul3A_706, %div3A : vector<1024x50xf32>
    %add3A_708 = arith.constant 1.000000e-10 : f32
    %add3A_709 = vector.broadcast %add3A_708 : f32 to vector<1024x50xf32>
    %add3A_710 = arith.addf %div3A_707, %add3A_709 : vector<1024x50xf32>
    %get3A_711 = arith.constant 0 : index
    %get3A_712 = arith.constant 0 : index
    %get3A_713 = vector.load %arg3[%get3A_711, %get3A_712] : memref<1024x50xf32, #tpu.memory_space<vmem>>, vector<1024x50xf32>
    %mul3A_714 = arith.constant 0.899999976 : f32
    %mul3A_715 = vector.broadcast %mul3A_714 : f32 to vector<1024x50xf32>
    %mul3A_716 = arith.mulf %mul3A_715, %get3A_713 : vector<1024x50xf32>
    %mul3A_717 = arith.constant 1.000000e-01 : f32
    %mul3A_718 = vector.broadcast %mul3A_717 : f32 to vector<1024x50xf32>
    %mul3A_719 = arith.mulf %mul3A_718, %add3A_710 : vector<1024x50xf32>
    %add3A_720 = arith.addf %mul3A_716, %mul3A_719 : vector<1024x50xf32>
    %max3A_721 = arith.constant 0.000000e+00 : f32
    %max3A_722 = vector.broadcast %max3A_721 : f32 to vector<1024x50xf32>
    %max3A_723 = arith.maximumf %get3A_4, %max3A_722 : vector<1024x50xf32>
    %exp23A = math.exp2 %max3A_723 : vector<1024x50xf32>
    %sub3A_724 = arith.constant 1.000000e+00 : f32
    %sub3A_725 = vector.broadcast %sub3A_724 : f32 to vector<1024x50xf32>
    %sub3A_726 = arith.subf %exp23A, %sub3A_725 : vector<1024x50xf32>
    %jit3A = arith.constant 0.000000e+00 : f32
    %broadcast_in_dim3A_727 = vector.broadcast %jit3A : f32 to vector<1024x50xf32>
    %select_n3A = arith.select %ne3A_6, %sub3A_726, %broadcast_in_dim3A_727 : vector<1024x50xi1>, vector<1024x50xf32>
    %get3A_728 = arith.constant 0 : index
    %get3A_729 = vector.load %arg7[%get3A_728] : memref<1024xi32, #tpu.memory_space<vmem>>, vector<1024xi32>
    %convert_element_type3A_730 = arith.sitofp %get3A_729 : vector<1024xi32> to vector<1024xf32>
    %reshape3A = vector.shape_cast %convert_element_type3A_730 : vector<1024xf32> to vector<1024x1xf32>
    %mul3A_731 = vector.broadcast %reshape3A : vector<1024x1xf32> to vector<1024x50xf32>
    %mul3A_732 = arith.mulf %mul3A_731, %add3A_720 : vector<1024x50xf32>
    %add3A_733 = arith.constant 2.000000e+00 : f32
    %add3A_734 = vector.broadcast %add3A_733 : f32 to vector<1024x50xf32>
    %add3A_735 = arith.addf %add3A_734, %mul3A_732 : vector<1024x50xf32>
    %log3A = math.log %add3A_735 : vector<1024x50xf32>
    %mul3A_736 = arith.constant 1.44269502 : f32
    %mul3A_737 = vector.broadcast %mul3A_736 : f32 to vector<1024x50xf32>
    %mul3A_738 = arith.mulf %log3A, %mul3A_737 : vector<1024x50xf32>
    %mul3A_739 = vector.broadcast %reshape3A : vector<1024x1xf32> to vector<1024x50xf32>
    %mul3A_740 = arith.mulf %select_n3A, %mul3A_739 : vector<1024x50xf32>
    %mul3A_741 = arith.mulf %mul3A_738, %mul3A_738 : vector<1024x50xf32>
    %mul3A_742 = arith.mulf %mul3A_741, %add3A_735 : vector<1024x50xf32>
    %mul3A_743 = arith.constant 0.693147182 : f32
    %mul3A_744 = vector.broadcast %mul3A_743 : f32 to vector<1024x50xf32>
    %mul3A_745 = arith.mulf %mul3A_742, %mul3A_744 : vector<1024x50xf32>
    %div3A_746 = arith.divf %mul3A_740, %mul3A_745 : vector<1024x50xf32>
    %get3A_747 = arith.constant 0 : index
    %get3A_748 = vector.load %arg4[%get3A_747] : memref<1024xf32, #tpu.memory_space<vmem>>, vector<1024xf32>
    %reshape3A_749 = vector.shape_cast %get3A_748 : vector<1024xf32> to vector<1024x1xf32>
    %sub3A_750 = vector.broadcast %reshape3A_749 : vector<1024x1xf32> to vector<1024x50xf32>
    %sub3A_751 = arith.subf %get3A_1, %sub3A_750 : vector<1024x50xf32>
    %jit3A_752 = arith.constant 0.000000e+00 : f32
    %broadcast_in_dim3A_753 = vector.broadcast %jit3A_752 : f32 to vector<1024x50xf32>
    %select_n3A_754 = arith.select %ne3A_6, %sub3A_751, %broadcast_in_dim3A_753 : vector<1024x50xi1>, vector<1024x50xf32>
    %mul3A_755 = arith.constant 2.000000e+00 : f32
    %mul3A_756 = vector.broadcast %mul3A_755 : f32 to vector<1024x50xf32>
    %mul3A_757 = arith.mulf %select_n3A_754, %mul3A_756 : vector<1024x50xf32>
    %abs3A = math.absf %mul3A_757 : vector<1024x50xf32>
    %neg3A = arith.constant 0.000000e+00 : f32
    %neg3A_758 = vector.broadcast %neg3A : f32 to vector<1024x50xf32>
    %neg3A_759 = arith.subf %neg3A_758, %abs3A : vector<1024x50xf32>
    %exp3A = math.exp %neg3A_759 : vector<1024x50xf32>
    %ge3A = arith.constant 0.000000e+00 : f32
    %ge3A_760 = vector.broadcast %ge3A : f32 to vector<1024x50xf32>
    %ge3A_761 = arith.cmpf oge, %mul3A_757, %ge3A_760 : vector<1024x50xf32>
    %add3A_762 = arith.constant 1.000000e+00 : f32
    %add3A_763 = vector.broadcast %add3A_762 : f32 to vector<1024x50xf32>
    %add3A_764 = arith.addf %add3A_763, %exp3A : vector<1024x50xf32>
    %div3A_765 = arith.constant 1.000000e+00 : f32
    %div3A_766 = vector.broadcast %div3A_765 : f32 to vector<1024x50xf32>
    %div3A_767 = arith.divf %div3A_766, %add3A_764 : vector<1024x50xf32>
    %add3A_768 = arith.constant 1.000000e+00 : f32
    %add3A_769 = vector.broadcast %add3A_768 : f32 to vector<1024x50xf32>
    %add3A_770 = arith.addf %add3A_769, %exp3A : vector<1024x50xf32>
    %div3A_771 = arith.divf %exp3A, %add3A_770 : vector<1024x50xf32>
    %select_n3A_772 = arith.select %ge3A_761, %div3A_767, %div3A_771 : vector<1024x50xi1>, vector<1024x50xf32>
    %mul3A_773 = arith.constant 2.000000e+00 : f32
    %mul3A_774 = vector.broadcast %mul3A_773 : f32 to vector<1024x50xf32>
    %mul3A_775 = arith.mulf %mul3A_774, %select_n3A_772 : vector<1024x50xf32>
    %mul3A_776 = arith.mulf %div3A_746, %mul3A_775 : vector<1024x50xf32>
    %mul3A_777 = arith.constant 2.000000e+00 : f32
    %mul3A_778 = vector.broadcast %mul3A_777 : f32 to vector<1024x50xf32>
    %mul3A_779 = arith.mulf %mul3A_778, %select_n3A_772 : vector<1024x50xf32>
    %sub3A_780 = arith.constant 1.000000e+00 : f32
    %sub3A_781 = vector.broadcast %sub3A_780 : f32 to vector<1024x50xf32>
    %sub3A_782 = arith.subf %sub3A_781, %select_n3A_772 : vector<1024x50xf32>
    %mul3A_783 = arith.mulf %mul3A_779, %sub3A_782 : vector<1024x50xf32>
    %mul3A_784 = arith.constant 1.000000e+03 : f32
    %mul3A_785 = vector.broadcast %mul3A_784 : f32 to vector<1024x50xf32>
    %mul3A_786 = arith.mulf %select_n3A_754, %mul3A_785 : vector<1024x50xf32>
    %abs3A_787 = math.absf %mul3A_786 : vector<1024x50xf32>
    %neg3A_788 = arith.constant 0.000000e+00 : f32
    %neg3A_789 = vector.broadcast %neg3A_788 : f32 to vector<1024x50xf32>
    %neg3A_790 = arith.subf %neg3A_789, %abs3A_787 : vector<1024x50xf32>
    %exp3A_791 = math.exp %neg3A_790 : vector<1024x50xf32>
    %ge3A_792 = arith.constant 0.000000e+00 : f32
    %ge3A_793 = vector.broadcast %ge3A_792 : f32 to vector<1024x50xf32>
    %ge3A_794 = arith.cmpf oge, %mul3A_786, %ge3A_793 : vector<1024x50xf32>
    %add3A_795 = arith.constant 1.000000e+00 : f32
    %add3A_796 = vector.broadcast %add3A_795 : f32 to vector<1024x50xf32>
    %add3A_797 = arith.addf %add3A_796, %exp3A_791 : vector<1024x50xf32>
    %div3A_798 = arith.constant 1.000000e+00 : f32
    %div3A_799 = vector.broadcast %div3A_798 : f32 to vector<1024x50xf32>
    %div3A_800 = arith.divf %div3A_799, %add3A_797 : vector<1024x50xf32>
    %add3A_801 = arith.constant 1.000000e+00 : f32
    %add3A_802 = vector.broadcast %add3A_801 : f32 to vector<1024x50xf32>
    %add3A_803 = arith.addf %add3A_802, %exp3A_791 : vector<1024x50xf32>
    %div3A_804 = arith.divf %exp3A_791, %add3A_803 : vector<1024x50xf32>
    %select_n3A_805 = arith.select %ge3A_794, %div3A_800, %div3A_804 : vector<1024x50xi1>, vector<1024x50xf32>
    %sub3A_806 = arith.constant 1.000000e+00 : f32
    %sub3A_807 = vector.broadcast %sub3A_806 : f32 to vector<1024x50xf32>
    %sub3A_808 = arith.subf %sub3A_807, %select_n3A_805 : vector<1024x50xf32>
    %mul3A_809 = arith.mulf %select_n3A_805, %sub3A_808 : vector<1024x50xf32>
    %mul3A_810 = arith.constant 1.000000e+03 : f32
    %mul3A_811 = vector.broadcast %mul3A_810 : f32 to vector<1024x50xf32>
    %mul3A_812 = arith.mulf %mul3A_809, %mul3A_811 : vector<1024x50xf32>
    %mul3A_813 = arith.mulf %convert_element_type3A_7, %mul3A_812 : vector<1024x50xf32>
    %reduce_sum3A_814 = arith.constant dense<0.000000e+00> : vector<1024xf32>
    %reduce_sum3A_815 = vector.multi_reduction <add>, %mul3A_813, %reduce_sum3A_814 [1] : vector<1024x50xf32> to vector<1024xf32>
    %broadcast_in_dim3A_816 = vector.shape_cast %reduce_sum3A_815 : vector<1024xf32> to vector<1024x1xf32>
    %div3A_817 = arith.divf %broadcast_in_dim3A_816, %broadcast_in_dim3A : vector<1024x1xf32>
    %add3A_818 = arith.constant 9.99999974E-5 : f32
    %add3A_819 = vector.broadcast %add3A_818 : f32 to vector<1024x1xf32>
    %add3A_820 = arith.addf %add3A_819, %div3A_817 : vector<1024x1xf32>
    %mul3A_821 = arith.constant 0.899999976 : f32
    %mul3A_822 = vector.broadcast %mul3A_821 : f32 to vector<1024x1xf32>
    %mul3A_823 = arith.mulf %mul3A_822, %add3A_820 : vector<1024x1xf32>
    %get3A_824 = arith.constant 0 : index
    %get3A_825 = vector.load %arg5[%get3A_824] : memref<1024xf32, #tpu.memory_space<vmem>>, vector<1024xf32>
    %reshape3A_826 = vector.shape_cast %get3A_825 : vector<1024xf32> to vector<1024x1xf32>
    %mul3A_827 = arith.constant 1.000000e-01 : f32
    %mul3A_828 = vector.broadcast %mul3A_827 : f32 to vector<1024x1xf32>
    %mul3A_829 = arith.mulf %mul3A_828, %reshape3A_826 : vector<1024x1xf32>
    %add3A_830 = arith.addf %mul3A_823, %mul3A_829 : vector<1024x1xf32>
    %jit3A_831 = arith.constant 0.000000e+00 : f32
    %broadcast_in_dim3A_832 = vector.broadcast %jit3A_831 : f32 to vector<1024x50xf32>
    %select_n3A_833 = arith.select %ne3A_6, %get3A_1, %broadcast_in_dim3A_832 : vector<1024x50xi1>, vector<1024x50xf32>
    %mul3A_834 = arith.mulf %convert_element_type3A_7, %mul3A_812 : vector<1024x50xf32>
    %mul3A_835 = arith.mulf %mul3A_834, %select_n3A_833 : vector<1024x50xf32>
    %reduce_sum3A_836 = arith.constant dense<0.000000e+00> : vector<1024xf32>
    %reduce_sum3A_837 = vector.multi_reduction <add>, %mul3A_835, %reduce_sum3A_836 [1] : vector<1024x50xf32> to vector<1024xf32>
    %broadcast_in_dim3A_838 = vector.shape_cast %reduce_sum3A_837 : vector<1024xf32> to vector<1024x1xf32>
    %div3A_839 = arith.divf %broadcast_in_dim3A_838, %broadcast_in_dim3A : vector<1024x1xf32>
    %div3A_840 = arith.divf %div3A_839, %add3A_830 : vector<1024x1xf32>
    %neg3A_841 = arith.constant 0.000000e+00 : f32
    %neg3A_842 = vector.broadcast %neg3A_841 : f32 to vector<1024x50xf32>
    %neg3A_843 = arith.subf %neg3A_842, %select_n3A : vector<1024x50xf32>
    %div3A_844 = arith.divf %neg3A_843, %mul3A_738 : vector<1024x50xf32>
    %mul3A_845 = arith.mulf %mul3A_776, %add3A_710 : vector<1024x50xf32>
    %mul3A_846 = arith.mulf %mul3A_783, %div3A_844 : vector<1024x50xf32>
    %sub3A_847 = vector.broadcast %div3A_840 : vector<1024x1xf32> to vector<1024x50xf32>
    %sub3A_848 = arith.subf %select_n3A_833, %sub3A_847 : vector<1024x50xf32>
    %mul3A_849 = arith.mulf %mul3A_846, %sub3A_848 : vector<1024x50xf32>
    %add3A_850 = arith.addf %mul3A_845, %mul3A_849 : vector<1024x50xf32>
    %reduce_sum3A_851 = arith.constant dense<0.000000e+00> : vector<1024xf32>
    %reduce_sum3A_852 = vector.multi_reduction <add>, %add3A_850, %reduce_sum3A_851 [1] : vector<1024x50xf32> to vector<1024xf32>
    %broadcast_in_dim3A_853 = vector.shape_cast %reduce_sum3A_852 : vector<1024xf32> to vector<1024x1xf32>
    %mul3A_854 = arith.constant 2.000000e-02 : f32
    %mul3A_855 = vector.broadcast %mul3A_854 : f32 to vector<1024x1xf32>
    %mul3A_856 = arith.mulf %broadcast_in_dim3A_853, %mul3A_855 : vector<1024x1xf32>
    %get3A_857 = arith.constant 0 : index
    %get3A_858 = vector.load %arg6[%get3A_857] : memref<1024xi32, #tpu.memory_space<vmem>>, vector<1024xi32>
    %convert_element_type3A_859 = arith.sitofp %get3A_858 : vector<1024xi32> to vector<1024xf32>
    %get3A_860 = arith.constant 0 : index
    %get3A_861 = vector.load %arg8[%get3A_860] : memref<1024xf32, #tpu.memory_space<vmem>>, vector<1024xf32>
    %add3A_862 = arith.constant 1.000000e-10 : f32
    %add3A_863 = vector.broadcast %add3A_862 : f32 to vector<1024xf32>
    %add3A_864 = arith.addf %get3A_861, %add3A_863 : vector<1024xf32>
    %div3A_865 = arith.divf %convert_element_type3A_859, %add3A_864 : vector<1024xf32>
    %reduce_sum3A_866 = vector.shape_cast %div3A_865 : vector<1024xf32> to vector<1x1024xf32>
    %reduce_sum3A_867 = arith.constant dense<0.000000e+00> : vector<1xf32>
    %reduce_sum3A_868 = vector.multi_reduction <add>, %reduce_sum3A_866, %reduce_sum3A_867 [1] : vector<1x1024xf32> to vector<1xf32>
    %reduce_sum3A_869 = vector.shape_cast %reduce_sum3A_868 : vector<1xf32> to vector<1x1xf32>
    %reduce_sum3A_870 = vector.extract %reduce_sum3A_869[0, 0] : f32 from vector<1x1xf32>
    %reduce_sum3A_871 = vector.shape_cast %mul3A_856 : vector<1024x1xf32> to vector<1x1024x1xf32>
    %reduce_sum3A_872 = arith.constant dense<0.000000e+00> : vector<1xf32>
    %reduce_sum3A_873 = vector.multi_reduction <add>, %reduce_sum3A_871, %reduce_sum3A_872 [1, 2] : vector<1x1024x1xf32> to vector<1xf32>
    %reduce_sum3A_874 = vector.shape_cast %reduce_sum3A_873 : vector<1xf32> to vector<1x1x1xf32>
    %reduce_sum3A_875 = vector.extract %reduce_sum3A_874[0, 0, 0] : f32 from vector<1x1x1xf32>
    %eq3A = arith.constant 0 : i32
    %eq3A_876 = arith.cmpi eq, %arg0, %eq3A : i32
    %convert_element_type3A_877 = arith.extui %eq3A_876 : i1 to i32
    %cond3A = arith.constant 0 : i32
    %cond3A_878 = arith.cmpi ne, %convert_element_type3A_877, %cond3A : i32
    scf.if %cond3A_878 {
      %swap3A_893 = arith.constant 0.000000e+00 : f32
      %swap3A_894 = arith.constant 0 : index
      %swap3A_895 = memref.load %arg10[%swap3A_894] : memref<2xf32, #tpu.memory_space<smem>>
      memref.store %swap3A_893, %arg10[%swap3A_894] : memref<2xf32, #tpu.memory_space<smem>>
      %swap3A_896 = arith.constant 0.000000e+00 : f32
      %swap3A_897 = arith.constant 1 : index
      %swap3A_898 = memref.load %arg10[%swap3A_897] : memref<2xf32, #tpu.memory_space<smem>>
      memref.store %swap3A_896, %arg10[%swap3A_897] : memref<2xf32, #tpu.memory_space<smem>>
    } else {
    }
    %get3A_879 = arith.constant 0 : index
    %get3A_880 = memref.load %arg10[%get3A_879] : memref<2xf32, #tpu.memory_space<smem>>
    %add3A_881 = arith.addf %get3A_880, %reduce_sum3A_870 : f32
    %swap3A = arith.constant 0 : index
    %swap3A_882 = memref.load %arg10[%swap3A] : memref<2xf32, #tpu.memory_space<smem>>
    memref.store %add3A_881, %arg10[%swap3A] : memref<2xf32, #tpu.memory_space<smem>>
    %get3A_883 = arith.constant 1 : index
    %get3A_884 = memref.load %arg10[%get3A_883] : memref<2xf32, #tpu.memory_space<smem>>
    %add3A_885 = arith.addf %get3A_884, %reduce_sum3A_875 : f32
    %swap3A_886 = arith.constant 1 : index
    %swap3A_887 = memref.load %arg10[%swap3A_886] : memref<2xf32, #tpu.memory_space<smem>>
    memref.store %add3A_885, %arg10[%swap3A_886] : memref<2xf32, #tpu.memory_space<smem>>
    %eq3A_888 = arith.constant 0 : i32
    %eq3A_889 = arith.cmpi eq, %arg0, %eq3A_888 : i32
    %convert_element_type3A_890 = arith.extui %eq3A_889 : i1 to i32
    %cond3A_891 = arith.constant 0 : i32
    %cond3A_892 = arith.cmpi ne, %convert_element_type3A_890, %cond3A_891 : i32
    scf.if %cond3A_892 {
      %get3A_893 = arith.constant 0 : index
      %get3A_894 = memref.load %arg10[%get3A_893] : memref<2xf32, #tpu.memory_space<smem>>
      %mul3A_895 = arith.constant 9.765625E-4 : f32
      %mul3A_896 = arith.mulf %get3A_894, %mul3A_895 : f32
      %get3A_897 = arith.constant 1 : index
      %get3A_898 = memref.load %arg10[%get3A_897] : memref<2xf32, #tpu.memory_space<smem>>
      %mul3A_899 = arith.constant 9.765625E-4 : f32
      %mul3A_900 = arith.mulf %get3A_898, %mul3A_899 : f32
      %mul3A_901 = arith.mulf %mul3A_896, %mul3A_900 : f32
      %broadcast_in_dim3A_902 = vector.broadcast %mul3A_901 : f32 to vector<1x1xf32>
      %swap3A_903 = arith.constant 0 : index
      %swap3A_904 = arith.constant 0 : index
      %swap3A_905 = vector.load %arg9[%swap3A_903, %swap3A_904] : memref<1x1xf32, #tpu.memory_space<vmem>>, vector<1x1xf32>
      tpu.vector_store %arg9[%swap3A_903, %swap3A_904], %broadcast_in_dim3A_902 {strides = array<i32>} : memref<1x1xf32, #tpu.memory_space<vmem>>, vector<1x1xf32>,
    } else {
    }
    return
  }
  func.func @transform_0(%arg0: i32) -> (i32, i32) {
    %c0_i32 = arith.constant 0 : i32
    %c0_i32_0 = arith.constant 0 : i32
    return %arg0, %c0_i32 : i32, i32
  }
  func.func @transform_1(%arg0: i32) -> (i32, i32) {
    %c0_i32 = arith.constant 0 : i32
    %c0_i32_0 = arith.constant 0 : i32
    return %arg0, %c0_i32 : i32, i32
  }
  func.func @transform_2(%arg0: i32) -> (i32, i32) {
    %c0_i32 = arith.constant 0 : i32
    %c0_i32_0 = arith.constant 0 : i32
    return %arg0, %c0_i32 : i32, i32
  }
  func.func @transform_3(%arg0: i32) -> i32 {
    %c0_i32 = arith.constant 0 : i32
    return %arg0 : i32
  }
  func.func @transform_4(%arg0: i32) -> i32 {
    %c0_i32 = arith.constant 0 : i32
    return %arg0 : i32
  }
  func.func @transform_5(%arg0: i32) -> i32 {
    %c0_i32 = arith.constant 0 : i32
    return %arg0 : i32
  }
  func.func @transform_6(%arg0: i32) -> i32 {
    %c0_i32 = arith.constant 0 : i32
    return %arg0 : i32
  }
  func.func @transform_7(%arg0: i32) -> i32 {
    %c0_i32 = arith.constant 0 : i32
    return %arg0 : i32
  }
  func.func @transform_8(%arg0: i32) -> (i32, i32) {
    %c0_i32 = arith.constant 0 : i32
    %c0_i32_0 = arith.constant 0 : i32
    %c0_i32_1 = arith.constant 0 : i32
    return %c0_i32, %c0_i32_0 : i32, i32
  }
}

</mosaic_0001>

<sc_bundles>
// kernel: kernel.4.cloned.1.call-start
scs
__scs_entry_jumppad:
0x0: {  	(pc) =	sbr.rel $0x88, $3  }
0x1: {  	(tag) =	ssettag $0x0;
	lr =	simm.s32 $0x1  }
0x2: {  	[smem:$0x3F98] =	sst lr;
	_ =	strace $0xD0000000  }
0x3: {  	_ = 	snop  }
0x4: {  	_ = 	snop  }
0x5: {  	_ = 	snop  }
0x6: {  	_ = 	snop  }
0x7: {  	_ = 	snop  }
__scs_overlays_trampoline_lowered:
0x8: {  	[smem:$0x3FA7] =	sst s0  }
0x9: {  	[smem:$0x3FA8] =	sst s1  }
0xa: {  	[smem:$0x3FA9] =	sst s2  }
0xb: {  	[smem:$0x3FAA] =	sst s3  }
0xc: {  	[smem:$0x3FAB] =	sst s4  }
0xd: {  	[smem:$0x3FAC] =	sst s5  }
0xe: {  	[smem:$0x3FAD] =	sst s6  }
0xf: {  	[smem:$0x3FAE] =	sst s7  }
0x10: {  	[smem:$0x3FAF] =	sst s8  }
0x11: {  	[smem:$0x3FB0] =	sst s9;
	s0 =	simm.s32 @!p0 $0x0  }
0x12: {  	s1 =	sld [smem:$0x3F96];
	s0 =	simm.s32 @p0 $0x1  }
0x13: {  	[smem:$0x3FB1] =	sst s0;
	s0 =	simm.s32 @!p1 $0x0  }
0x14: {  	s2 =	sld [smem:$0x3F95];
	s0 =	simm.s32 @p1 $0x1  }
0x15: {  	[smem:$0x3FB2] =	sst s0;
	s0 =	simm.s32 @!p2 $0x0  }
0x16: {  	s3 =	sld [smem:$0x3FDB];
	s0 =	simm.s32 @p2 $0x1  }
0x17: {  	s4 =	simm.s32 $0x1BF5;
	[smem:$0x3FB4] =	sst s0  }
0x18: {  	s0 =	sld [smem:$0x3F97];
	_ =	swait.ge [sflag:s4], $0x0  }
0x19: {  	s7 =	sld [smem:$0x3F98]  }
0x1a: {  	s8 =	sadd.s32 $0xFFFFE003, lr  }
0x1b: {  	s9 =	sadd.s32 $0xFFFFFEF7, lr;
	s5 =	simm.s32 $0xFFFFFFFF;
	p2 =	slt.u32 s8, $0xFFFFF086  }
0x1c: {  	p1 =	slt.u32 s9, $0xF7A;
	s5 =	simm.s32 @!p2 $0x0  }
0x1d: {  	s5 =	simm.s32 @p1 $0x1;
	p0 =	seq.s32 s7, s2  }
0x1e: {  	s7 =	smul.u32 @!p0 $0xF7A, s2;
	p2 =	seq.s32 @!p0 s5, $0x0  }
0x1f: {  	s9 =	smul.u32 $0xF7A, s1;
	s8 =	simm.s32 @!p0 $0x1BF5;
	p2 =	por !p2, p0  }
0x20: {  	[sflag:s8] =	ssyncset.s32 @!p0 $0xFFFFF086;
	s6 =	sadd.s32 @!p0 s3, s7;
	s7 =	simm.s32 @!p0 $0x108  }
0x21: {  	s3 =	sadd.s32 s3, s9;
	s6 =	sadd.s32 @!p0 $0x88, s6;
	s7 =	simm.s32 @p2 $0x1082  }
0x22: {  	[simem:s7], [sflag:s8] =	dma.local @!p0 [hbm:s6], $0xF7A  }
0x23: {  	s9 =	sor.u32 $0xD0000000, s2;
	s6 =	simm.s32 $0x108;
	_ =	swait.ge @!p0 [sflag:s8], $0x0  }
0x24: {  	s3 =	sadd.s32 $0x88, s3;
	s6 =	simm.s32 @!p1 $0x1082;
	[sflag:s4] =	ssyncset.s32 $0xFFFFF086  }
0x25: {  	[simem:s6], [sflag:s4] =	dma.local [hbm:s3], $0xF7A  }
0x26: {  	[smem:$0x3F98] =	sst s1;
	(tag) =	ssettag s2;
	_ =	strace s9  }
0x27: {  	s1 =	sld [smem:$0x3FA8]  }
0x28: {  	s2 =	sld [smem:$0x3FA9]  }
0x29: {  	s4 =	sld [smem:$0x3FAB]  }
0x2a: {  	p0 =	seq.s32 s5, $0x0;
	s5 =	sld [smem:$0x3FAC]  }
0x2b: {  	s6 =	sld [smem:$0x3FAD]  }
0x2c: {  	s7 =	sld [smem:$0x3FAE]  }
0x2d: {  	s3 =	simm.s32 $0x108;
	s8 =	sld [smem:$0x3FAF]  }
0x2e: {  	s3 =	simm.s32 @!p0 $0x1082;
	s9 =	sld [smem:$0x3FB0]  }
0x2f: {  	lr =	sadd.s32 s0, s3;
	s0 =	sld [smem:$0x3FA7]  }
0x30: {  	s3 =	sld [smem:$0x3FAA]  }
0x31: {  	[smem:$0x3FB3] =	sst s10  }
0x32: {  	s10 =	sld [smem:$0x3FB1];
	_ =	sdelay $0x3  }
0x33: {  	p0 =	seq.s32 s10, $0x1;
	s10 =	sld [smem:$0x3FB3];
	_ =	sdelay $0x3  }
0x34: {  	[smem:$0x3FB3] =	sst s10  }
0x35: {  	s10 =	sld [smem:$0x3FB2];
	_ =	sdelay $0x3  }
0x36: {  	p1 =	seq.s32 s10, $0x1;
	s10 =	sld [smem:$0x3FB3];
	_ =	sdelay $0x3  }
0x37: {  	[smem:$0x3FB3] =	sst s10  }
0x38: {  	s10 =	sld [smem:$0x3FB4]  }
0x39: {  	_ = 	snop;
	(pc) =	sbr.ind lr, $3  }
0x3a: {  	_ = 	snop  }
0x3b: {  	_ = 	snop  }
0x3c: {  	p2 =	seq.s32 s10, $0x1;
	s10 =	sld [smem:$0x3FB3]  }
0x3d: {  	_ =	shalt  }
0x3e: {  	_ =	shalt  }
0x3f: {  	_ =	shalt  }
0x40: {  	_ =	shalt  }
0x41: {  	_ =	shalt  }
0x42: {  	_ =	shalt  }
0x43: {  	_ =	shalt  }
0x44: {  	_ =	shalt  }
0x45: {  	_ =	shalt  }
0x46: {  	_ =	shalt  }
0x47: {  	_ =	shalt  }
0x48: {  	_ =	shalt  }
0x49: {  	_ =	shalt  }
0x4a: {  	_ =	shalt  }
0x4b: {  	_ =	shalt  }
0x4c: {  	_ =	shalt  }
0x4d: {  	_ =	shalt  }
0x4e: {  	_ =	shalt  }
0x4f: {  	_ =	shalt  }
0x50: {  	_ =	shalt  }
0x51: {  	_ =	shalt  }
0x52: {  	_ =	shalt  }
0x53: {  	_ =	shalt  }
0x54: {  	_ =	shalt  }
0x55: {  	_ =	shalt  }
0x56: {  	_ =	shalt  }
0x57: {  	_ =	shalt  }
0x58: {  	_ =	shalt  }
0x59: {  	_ =	shalt  }
0x5a: {  	_ =	shalt  }
0x5b: {  	_ =	shalt  }
0x5c: {  	_ =	shalt  }
0x5d: {  	_ =	shalt  }
0x5e: {  	_ =	shalt  }
0x5f: {  	_ =	shalt  }
0x60: {  	_ =	shalt  }
0x61: {  	_ =	shalt  }
0x62: {  	_ =	shalt  }
0x63: {  	_ =	shalt  }
0x64: {  	_ =	shalt  }
0x65: {  	_ =	shalt  }
0x66: {  	_ =	shalt  }
0x67: {  	_ =	shalt  }
0x68: {  	_ =	shalt  }
0x69: {  	_ =	shalt  }
0x6a: {  	_ =	shalt  }
0x6b: {  	_ =	shalt  }
0x6c: {  	_ =	shalt  }
0x6d: {  	_ =	shalt  }
0x6e: {  	_ =	shalt  }
0x6f: {  	_ =	shalt  }
0x70: {  	_ =	shalt  }
0x71: {  	_ =	shalt  }
0x72: {  	_ =	shalt  }
0x73: {  	_ =	shalt  }
0x74: {  	_ =	shalt  }
0x75: {  	_ =	shalt  }
0x76: {  	_ =	shalt  }
0x77: {  	_ =	shalt  }
0x78: {  	_ =	shalt  }
0x79: {  	_ =	shalt  }
0x7a: {  	_ =	shalt  }
0x7b: {  	_ =	shalt  }
0x7c: {  	_ =	shalt  }
0x7d: {  	_ =	shalt  }
0x7e: {  	_ =	shalt  }
0x7f: {  	_ =	shalt  }
0x80: {  	_ =	shalt  }
0x81: {  	_ =	shalt  }
0x82: {  	_ =	shalt  }
0x83: {  	_ =	shalt  }
0x84: {  	_ =	shalt  }
0x85: {  	_ =	shalt  }
0x86: {  	_ =	shalt  }
0x87: {  	_ =	shalt  }
.Lfunc_end0:
.L_simem_size_0:
called_computation_lowered:
.L_overlay_start_0:
0x88: {  	s2 =	sld [smem:$0x3FD9]  }
0x89: {  	s3 =	sld [smem:$0x3FFE];
	_ =	sdelay $0x1  }
0x8a: {  	s1 =	srdreg.scid  }
0x8b: {  	s0 =	sand.u32 $0x1, s1  }
0x8c: {  	s17 =	sshll.u32 s0, $0xA;
	s2 =	sadd.s32 s3, s2  }
0x8d: {  	s2 =	sadd.s32 s2, s17  }
0x8e: {  	[smem:$0x3FBF] =	sst s2  }
0x8f: {  	_ = 	snop  }
0x90: {  	s2 =	sld [smem:$0x3FC2]  }
0x91: {  	s18 =	sld [smem:$0x3FC1];
	(tm) =	ssettm $0x1  }
0x92: {  	s4 =	sld [smem:$0x3FFB];
	_ =	sdelay $0x3  }
0x93: {  	_ =	strace s4  }
0x94: {  	s4 =	sld [smem:$0x3FFC];
	_ =	sdelay $0x3  }
0x95: {  	_ =	strace s4  }
0x96: {  	s4 =	sld [smem:$0x3FFD];
	_ =	sdelay $0x3  }
0x97: {  	_ =	strace s4  }
0x98: {  	_ =	strace $0x8FFFFFFF  }
0x99: {  	s19 =	sld [smem:$0x3FDB];
	_ =	sdelay $0x1  }
0x9a: {  	s5 =	simm.s32 $_scs_section_size  }
0x9b: {  	s6 =	simm.s32 $_size__tile_overlayer_lowered;
	s7 =	simm.s32 $_tile_overlayer_lowered  }
0x9c: {  	s22 =	simm.s32 $0x1BFF;
	s21 =	sshll.u32 s7, $0x1;
	s4 =	sadd.s32 s5, s19  }
0x9d: {  	s8 =	simm.s32 $0x0;
	s20 =	sshll.u32 s6, $0x1;
	s6 =	sadd.s32 s21, s4  }
0x9e: {  	[timem:s8], [sflag:s22] =	dma.local [hbm:s6], s20  }
0x9f: {  	_ =	swait.ge [sflag:s22], s20  }
0xa0: {  	s5 =	ssub.s32 $0x0, s20;
	[sflag:s22] =	ssyncset.done $0x0  }
0xa1: {  	[sflag:s22] =	ssyncadd.s32 s5;
	_ =	sdelay $0x1  }
0xa2: {  	s23 =	simm.s32 $0x1B8B  }
0xa3: {  	_ =	swait.ge [sflag:s23], $0x1  }
0xa4: {  	[sflag:s23] =	ssyncset.done $0x0  }
0xa5: {  	s25 =	simm.s32 $0x1B8E;
	s24 =	sld [smem:$0x3FFE];
	[sflag:s23] =	ssyncadd.s32 $0xFFFFFFFF  }
0xa6: {  	s26 =	simm.s32 $execute0_lowered;
	[smem:$0x3FD2] =	sst s25  }
0xa7: {  	s6 =	sshll.u32 s26, $0x1;
	_ =	strace $0x80000046;
	[dreg:$0x1] =	wrdreg $0xFFFFFFFF  }
0xa8: {  	s28 =	simm.s32 $_size_execute0_lowered;
	s4 =	sadd.s32 s4, s6;
	[dreg:$0x0] =	wrdreg $0x0  }
0xa9: {  	s6 =	sshll.u32 s28, $0x1;
	[dreg:$0x2] =	wrdreg s4  }
0xaa: {  	[dreg:$0x3] =	wrdreg s6  }
0xab: {  	[dreg:$0x4] =	wrdreg $0xC0  }
0xac: {  	_ =	task [dreg:s8], $0x5FFFF  }
0xad: {  	[dreg:$0x1] =	wrdreg $0xFFFFFFFF  }
0xae: {  	[dreg:$0x0] =	wrdreg $0x60  }
0xaf: {  	[dreg:$0x2] =	wrdreg s24  }
0xb0: {  	[dreg:$0x3] =	wrdreg s2  }
0xb1: {  	[dreg:$0x4] =	wrdreg s18  }
0xb2: {  	[dreg:$0x5] =	wrdreg $0x9  }
0xb3: {  	_ =	task.clear_ibuf [dreg:s8], $0x6FFFF;
	_ =	strace $0x90000046  }
0xb4: {  	s29 =	simm.s32 $0x9;
	_ =	strace $0x80000048  }
0xb5: {  	_ =	swait.ge [sflag:s29], $0x1  }
0xb6: {  	[sflag:s29] =	ssyncadd.s32 $0xFFFFFFFF  }
0xb7: {  	_ =	strace $0x90000048  }
0xb8: {  	_ =	sfence  }
0xb9: {  	s30 =	sld [smem:$0x0];
	_ =	sdelay $0x2  }
0xba: {  	s31 =	sshll.u32 s1, $0xD;
	s1 =	sshrl.u32 s1, $0x2  }
0xbb: {  	s3 =	sand.u32 $0x4000, s31;
	s1 =	sadd.s32 s1, s30  }
0xbc: {  	s0 =	sor.u32 s3, s0;
	s1 =	sshll.u32 s1, $0x11  }
0xbd: {  	s0 =	sor.u32 s1, s0  }
0xbe: {  	s0 =	sadd.s32 $0x8F2B, s0  }
0xbf: {  	[sflag:s0] =	ssyncadd.remote.s32 $0x1  }
0xc0: {  	_ =	sfence.sel $0xFFFF  }
0xc1: {  	[dreg:$0x0] =	wrdreg $0xFFFFFFFF;
	(pc) =	sbr.abs _section_cstart, $3  }
0xc2: {  	[dreg:$0x1] =	wrdreg $0xFFFFFFFF  }
0xc3: {  	_ =	task.clear_ibuf [dreg:s8], $0x2FFFF;
	_ =	strace $0x9FFFFFFF  }
0xc4: {  	(tm) =	ssettm $0x7FFFFFFF  }
0xc5: {  	_ =	shalt  }
tec
execute0_lowered:
.L_overlay_start_1:
0x0: {  	(tag) =	ssettag $0x1  }
0x1: {  	s0 =	rddreg [dreg:$0x0]  }
0x2: {  	s1 =	srdreg.scid;
	s2 =	rddreg [dreg:$0x1]  }
0x3: {  	s10 =	stileid.u32;
	s3 =	rddreg [dreg:$0x2];
	s12 =	simm.s32 $0x2  }
0x4: {  	s13 =	simm.s32 $0x80;
	s15 =	simm.s32 $0xD00;
	s14 =	simm.s32 $0x1180  }
0x5: {  	s16 =	simm.s32 $0xB80;
	s17 =	simm.s32 $0x1200;
	s18 =	simm.s32 $0xC00  }
0x6: {  	s19 =	simm.s32 $0x1280;
	s20 =	simm.s32 $0xC80;
	s21 =	simm.s32 $0x1300  }
0x7: {  	s24 =	simm.s32 $0x1390;
	s25 =	simm.s32 $0x1410;
	s26 =	simm.s32 $0x1  }
0x8: {  	s28 =	simm.s32 $0x0;
	s1 =	sand.u32 $0x1, s1;
	s4 =	sshll.u32 s10, $0x1  }
0x9: {  	s5 =	sadd.s32 $0x1800, s0;
	s10 =	smul.u32 $0x28A00, s10;
	s6 =	sor.u32 s1, s4  }
0xa: {  	s4 =	simm.s32 $0x0;
	s9 =	ssub.s32 $0x2, s1;
	s1 =	smul.u32 $0x14500, s1  }
0xb: {  	s7 =	smul.u32 $0x640, s6;
	[smem:$0x7FF] =	sst s4;
	s29 =	sshrl.u32 s9, $0x1  }
0xc: {  	v2 =	vlaneseq.u32;
	s6 =	sshll.u32 s6, $0x2;
	_ =	strace $0x80000047;
	s11 =	ssub.s32 s9, s29  }
0xd: {  	v1 =	vmul.u32 $0x32, v2;
	s30 =	sadd.s32 s1, s10;
	s8 =	sshrl.u32 s7, $0x3;
	s22 =	sor.u32 $0x1, s7  }
0xe: {  	s23 =	sadd.s32 $0x321, s7;
	s10 =	smax.u32 s11, $0x1;
	s31 =	sor.u32 $0x1, s30  }
0xf: {  	s8 =	sadd.s32 s8, s0;
	s0 =	sadd.s32 s6, s0;
	v0 =	vadd.s32 s22, v1;
	s22 =	simm.s32 $0x1380  }
0x10: {  	v1 =	vadd.s32 s23, v1;
	s23 =	simm.s32 $0x1400;
	s6 =	sadd.s32 $0x52C00, s8;
	s7 =	sadd.s32 $0x54600, s8  }
0x11: {  	v3 =	vimm.s32 $0x0;
	vm0 =	vmmov $0xffff;
	v2 =	vmul.u32 $0x34, v2;
	s8 =	sadd.s32 $0x56000, s0;
	s9 =	sadd.s32 $0x56200, s0;
	s0 =	simm.s32 $0xB00  }
.LBB2_1:
0x12: {  	[tilespmem:s4], [sflag:$0x2] =	stream.linear.gather [hbm4b:s6+s4], $0x640, $0x38;
	[tilespmem:$0x1480] =	vst v63  }
0x13: {  	_ =	swait.ge [sflag:s12], $0x640  }
0x14: {  	[sflag:s12] =	ssyncset.done $0x0  }
0x15: {  	s29 =	simm.s32 $0x0;
	[sflag:s12] =	ssyncadd.s32 $0xFFFFF9C0  }
0x16: {  	v4 =	vld [tilespmem:s29+$0x0];
	_ =	sdelay $0x3  }
0x17: {  	s30 =	simm.s32 $0x40;
	s11 =	smov.u32 s31  }
.LBB2_2:
0x18: {  	s1 =	sshra.s32 s30, $0x2;
	p0 =	sne.s32 s30, $0x18C0;
	s30 =	sadd.s32 $0x40, s30;
	v5 =	vadd.s32 s11, v4  }
.Ltmp0:
0x19: {  	v4 =	vld [tilespmem:s1+$0x0];
	v5 =	vadd.s32 v2, v5;
	(pc) =	sbr.rel @p0 .LBB2_2-.Ltmp0, $2  }
0x1a: {  	[tilespmem:s29+$0x680] =	vst v5;
	s29 =	smov.u32 s1;
	_ =	sdelay $0x2  }
0x1b: {  	s11 =	sadd.s32 $0x340, s11  }
0x1c: {  	v4 =	vadd.s32 s11, v4  }
0x1d: {  	v4 =	vadd.s32 v2, v4  }
0x1e: {  	[tilespmem:s29+$0x680] =	vst v4  }
0x1f: {  	[tilespmem:$0xCC0] =	vst v3  }
0x20: {  	[tilespmem:$0xCD0] =	vst v3  }
0x21: {  	[tilespmem:$0xCE0] =	vst v3  }
0x22: {  	s1 =	simm.s32 $0x680;
	[tilespmem:$0xCF0] =	vst v3  }
0x23: {  	[tilespmem:s15], [sflag:$0x1] =	stream.indirect.gather [hbm4b:s5+s13], $0x1, s1, s13, $0xb8;
	[tilespmem:$0x1480] =	vst v63  }
0x24: {  	s30 =	simm.s32 $0xD80;
	s29 =	simm.s32 $0x700  }
0x25: {  	[tilespmem:s30], [sflag:$0x1] =	stream.indirect.gather [hbm4b:s5+s13], $0x1, s29, s13, $0xb8;
	[tilespmem:$0x1480] =	vst v63  }
0x26: {  	s29 =	simm.s32 $0x780;
	s30 =	simm.s32 $0xE00  }
0x27: {  	[tilespmem:s30], [sflag:$0x1] =	stream.indirect.gather [hbm4b:s5+s13], $0x1, s29, s13, $0xb8;
	[tilespmem:$0x1480] =	vst v63  }
0x28: {  	s29 =	simm.s32 $0x800;
	s30 =	simm.s32 $0xE80  }
0x29: {  	[tilespmem:s30], [sflag:$0x1] =	stream.indirect.gather [hbm4b:s5+s13], $0x1, s29, s13, $0xb8;
	[tilespmem:$0x1480] =	vst v63  }
0x2a: {  	s29 =	simm.s32 $0x880;
	s30 =	simm.s32 $0xF00  }
0x2b: {  	[tilespmem:s30], [sflag:$0x1] =	stream.indirect.gather [hbm4b:s5+s13], $0x1, s29, s13, $0xb8;
	[tilespmem:$0x1480] =	vst v63  }
0x2c: {  	s29 =	simm.s32 $0x900;
	s30 =	simm.s32 $0xF80  }
0x2d: {  	[tilespmem:s30], [sflag:$0x1] =	stream.indirect.gather [hbm4b:s5+s13], $0x1, s29, s13, $0xb8;
	[tilespmem:$0x1480] =	vst v63  }
0x2e: {  	s29 =	simm.s32 $0x980;
	s30 =	simm.s32 $0x1000  }
0x2f: {  	[tilespmem:s30], [sflag:$0x1] =	stream.indirect.gather [hbm4b:s5+s13], $0x1, s29, s13, $0xb8;
	[tilespmem:$0x1480] =	vst v63  }
0x30: {  	s29 =	simm.s32 $0xA00;
	s30 =	simm.s32 $0x1080  }
0x31: {  	[tilespmem:s30], [sflag:$0x1] =	stream.indirect.gather [hbm4b:s5+s13], $0x1, s29, s13, $0xb8;
	[tilespmem:$0x1480] =	vst v63  }
0x32: {  	s29 =	simm.s32 $0xA80;
	s30 =	simm.s32 $0x1100  }
0x33: {  	[tilespmem:s30], [sflag:$0x1] =	stream.indirect.gather [hbm4b:s5+s13], $0x1, s29, s13, $0xb8;
	[tilespmem:$0x1480] =	vst v63  }
0x34: {  	_ = 	snop  }
0x35: {  	[tilespmem:s14], [sflag:$0x1] =	stream.indirect.gather [hbm4b:s5+s13], $0x1, s0, s13, $0xb8;
	[tilespmem:$0x1480] =	vst v63  }
0x36: {  	_ = 	snop  }
0x37: {  	[tilespmem:s17], [sflag:$0x1] =	stream.indirect.gather [hbm4b:s5+s13], $0x1, s16, s13, $0xb8;
	[tilespmem:$0x1480] =	vst v63  }
0x38: {  	_ = 	snop  }
0x39: {  	[tilespmem:s19], [sflag:$0x1] =	stream.indirect.gather [hbm4b:s5+s13], $0x1, s18, s13, $0xb8;
	[tilespmem:$0x1480] =	vst v63  }
0x3a: {  	_ = 	snop  }
0x3b: {  	[tilespmem:s21], [sflag:$0x1] =	stream.indirect.gather [hbm4b:s5+s13], $0x1, s20, s13, $0xb8;
	[tilespmem:$0x1480] =	vst v63  }
0x3c: {  	_ = 	snop  }
0x3d: {  	[tilespmem:s22], [sflag:$0x1] =	stream.indirect_vreg.gather [hbm4b:s2+s4], $0x1, v0, vm0, $0xb8;
	[tilespmem:$0x1480] =	vst v63  }
0x3e: {  	_ = 	snop  }
0x3f: {  	[tilespmem:s23], [sflag:$0x1] =	stream.indirect_vreg.gather [hbm4b:s3+s4], $0x1, v0, vm0, $0xb8;
	[tilespmem:$0x1480] =	vst v63  }
0x40: {  	_ = 	snop  }
0x41: {  	[tilespmem:s24], [sflag:$0x1] =	stream.indirect_vreg.gather [hbm4b:s2+s4], $0x1, v1, vm0, $0xb8;
	[tilespmem:$0x1480] =	vst v63  }
0x42: {  	_ = 	snop  }
0x43: {  	[tilespmem:s25], [sflag:$0x1] =	stream.indirect_vreg.gather [hbm4b:s3+s4], $0x1, v1, vm0, $0xb8;
	[tilespmem:$0x1480] =	vst v63  }
0x44: {  	_ =	swait.ge [sflag:s26], $0x80  }
0x45: {  	[sflag:s26] =	ssyncset.done $0x0  }
0x46: {  	[sflag:s26] =	ssyncadd.s32 $0xFFFFFF80  }
0x47: {  	_ =	swait.ge [sflag:s26], $0x80  }
0x48: {  	[sflag:s26] =	ssyncset.done $0x0  }
0x49: {  	[sflag:s26] =	ssyncadd.s32 $0xFFFFFF80  }
0x4a: {  	_ =	swait.ge [sflag:s26], $0x80  }
0x4b: {  	[sflag:s26] =	ssyncset.done $0x0  }
0x4c: {  	[sflag:s26] =	ssyncadd.s32 $0xFFFFFF80  }
0x4d: {  	_ =	swait.ge [sflag:s26], $0x80  }
0x4e: {  	[sflag:s26] =	ssyncset.done $0x0  }
0x4f: {  	[sflag:s26] =	ssyncadd.s32 $0xFFFFFF80  }
0x50: {  	_ =	swait.ge [sflag:s26], $0x80  }
0x51: {  	[sflag:s26] =	ssyncset.done $0x0  }
0x52: {  	[sflag:s26] =	ssyncadd.s32 $0xFFFFFF80  }
0x53: {  	_ =	swait.ge [sflag:s26], $0x80  }
0x54: {  	[sflag:s26] =	ssyncset.done $0x0  }
0x55: {  	[sflag:s26] =	ssyncadd.s32 $0xFFFFFF80  }
0x56: {  	_ =	swait.ge [sflag:s26], $0x80  }
0x57: {  	[sflag:s26] =	ssyncset.done $0x0  }
0x58: {  	[sflag:s26] =	ssyncadd.s32 $0xFFFFFF80  }
0x59: {  	_ =	swait.ge [sflag:s26], $0x80  }
0x5a: {  	[sflag:s26] =	ssyncset.done $0x0  }
0x5b: {  	[sflag:s26] =	ssyncadd.s32 $0xFFFFFF80  }
0x5c: {  	_ =	swait.ge [sflag:s26], $0x80  }
0x5d: {  	[sflag:s26] =	ssyncset.done $0x0  }
0x5e: {  	[sflag:s26] =	ssyncadd.s32 $0xFFFFFF80  }
0x5f: {  	_ =	swait.ge [sflag:s26], $0x80  }
0x60: {  	[sflag:s26] =	ssyncset.done $0x0  }
0x61: {  	[sflag:s26] =	ssyncadd.s32 $0xFFFFFF80  }
0x62: {  	_ =	swait.ge [sflag:s26], $0x80  }
0x63: {  	[sflag:s26] =	ssyncset.done $0x0  }
0x64: {  	[sflag:s26] =	ssyncadd.s32 $0xFFFFFF80  }
0x65: {  	_ =	swait.ge [sflag:s26], $0x80  }
0x66: {  	[sflag:s26] =	ssyncset.done $0x0  }
0x67: {  	[sflag:s26] =	ssyncadd.s32 $0xFFFFFF80  }
0x68: {  	_ =	swait.ge [sflag:s26], $0x80  }
0x69: {  	[sflag:s26] =	ssyncset.done $0x0  }
0x6a: {  	[sflag:s26] =	ssyncadd.s32 $0xFFFFFF80  }
0x6b: {  	_ =	swait.ge [sflag:s26], $0x10  }
0x6c: {  	[sflag:s26] =	ssyncset.done $0x0  }
0x6d: {  	[sflag:s26] =	ssyncadd.s32 $0xFFFFFFF0  }
0x6e: {  	_ =	swait.ge [sflag:s26], $0x10  }
0x6f: {  	[sflag:s26] =	ssyncset.done $0x0  }
0x70: {  	[sflag:s26] =	ssyncadd.s32 $0xFFFFFFF0  }
0x71: {  	_ =	swait.ge [sflag:s26], $0x10  }
0x72: {  	[sflag:s26] =	ssyncset.done $0x0  }
0x73: {  	[sflag:s26] =	ssyncadd.s32 $0xFFFFFFF0  }
0x74: {  	_ =	swait.ge [sflag:s26], $0x10  }
0x75: {  	[sflag:s26] =	ssyncset.done $0x0  }
0x76: {  	[sflag:s26] =	ssyncadd.s32 $0xFFFFFFF0  }
0x77: {  	[hbm4b:s7+s4] =	stream.linear.scatter [tilespmem:s15], [sflag:$0x2], $0x640, $0x38;
	[tilespmem:$0x1480] =	vst v63  }
0x78: {  	_ =	swait.ge [sflag:s12], $0x640  }
0x79: {  	[sflag:s12] =	ssyncset.done $0x0  }
0x7a: {  	[sflag:s12] =	ssyncadd.s32 $0xFFFFF9C0  }
0x7b: {  	[hbm4b:s8+s4] =	stream.linear.scatter [tilespmem:s22], [sflag:$0x2], $0x20, $0x38;
	[tilespmem:$0x1480] =	vst v63  }
0x7c: {  	s28 =	sadd.s32 $0x1, s28;
	_ =	swait.ge [sflag:s12], $0x20  }
0x7d: {  	p0 =	sne.s32 s28, s10;
	[sflag:s12] =	ssyncset.done $0x0  }
.Ltmp1:
0x7e: {  	[sflag:s12] =	ssyncadd.s32 $0xFFFFFFE0;
	(pc) =	sbr.rel @p0 .LBB2_1-.Ltmp1, $4  }
0x7f: {  	[hbm4b:s9+s4] =	stream.linear.scatter [tilespmem:s23], [sflag:$0x2], $0x20, $0x38;
	[tilespmem:$0x1480] =	vst v63  }
0x80: {  	_ =	swait.ge [sflag:s12], $0x20  }
0x81: {  	[sflag:s12] =	ssyncset.done $0x0  }
0x82: {  	[sflag:s12] =	ssyncadd.s32 $0xFFFFFFE0  }
0x83: {  	_ =	sfence.sel $0x180000  }
0x84: {  	[bflag:$0x0] =	sbarrier.arrive $0xFFFF  }
0x85: {  	_ =	strace $0x90000047  }
0x86: {  	s0 =	stileid.u32;
	[bflag:$0x2] =	sbarrier.arrive $0xFFFF  }
0x87: {  	p0 =	sne.s32 s0, $0x0;
	s0 =	rddreg [dreg:$0x3]  }
0x88: {  	s0 =	sadd.s32 @!p0 $0x100000, s0  }
0x89: {  	[sflag:s0] =	ssyncadd.tile.s32 @!p0 $0x1;
	_ =	shalt  }
.Lfunc_end2:
_tile_overlayer_lowered:
.L_overlay_start_2:
0x8a: {  	(tag) =	ssettag $0x2  }
0x8b: {  	s0 =	rddreg [dreg:$0x0];
	s2 =	stileid.u32  }
0x8c: {  	s1 =	rddreg [dreg:$0x1];
	p0 =	sne.s32 s2, $0x0  }
0x8d: {  	s3 =	rddreg [dreg:$0x2];
	[bflag:$0x3] =	sbarrier.arrive $0xFFFF;
	s2 =	simm.s32 @!p0 $0x1C02  }
0x8e: {  	[timem:s3], [sflag:s2] =	dma.local @!p0 [hbm:s0], s1  }
0x8f: {  	s0 =	simm.s32 @!p0 $0x2  }
0x90: {  	_ =	swait.ge @!p0 [sflag:s0], s1  }
0x91: {  	s1 =	ssub.s32 @!p0 $0x0, s1;
	[sflag:s0] =	ssyncset.done @!p0 $0x0  }
0x92: {  	[sflag:s0] =	ssyncadd.s32 @!p0 s1  }
0x93: {  	[bflag:$0x3] =	sbarrier.arrive $0xFFFF  }
0x94: {  	_ =	shalt  }

</sc_bundles>
